<compile_context>
chip_gen: v7x
topology: tpu7x:2x2x1
jax: 0.10.2.dev20260603
libtpu: 0.0.44.dev20260713+nightly
codegen_flags: <defaults>
</compile_context>

<pallas_src>
import functools

import jax
import jax.numpy as jnp
from jax import lax
from jax.experimental import pallas as pl
from jax.experimental.pallas import tpu as pltpu
from jax.experimental.pallas import tpu_sc as plsc

VOCAB = 1000000
HIDDEN = 64
BATCH = 16384
NEG = 5

NUM_CORES = 2
NUM_SUBCORES = 16
NW = NUM_CORES * NUM_SUBCORES
BPW = BATCH // NW
NGATHER = 2 + NEG

_sc_mesh = plsc.VectorSubcoreMesh(core_axis_name="c", subcore_axis_name="s")


@functools.partial(
    pl.kernel,
    out_type=[
        jax.ShapeDtypeStruct((BATCH, HIDDEN), jnp.float32),
        jax.ShapeDtypeStruct((BATCH, HIDDEN), jnp.float32),
        jax.ShapeDtypeStruct((NEG * BATCH, HIDDEN), jnp.float32),
    ],
    mesh=_sc_mesh,
    compiler_params=pltpu.CompilerParams(use_tc_tiling_on_sc=False),
    scratch_types=[
        pltpu.VMEM((NGATHER * BPW,), jnp.int32),
        pltpu.VMEM((BPW, HIDDEN), jnp.float32),
        pltpu.VMEM((BPW, HIDDEN), jnp.float32),
        pltpu.SemaphoreType.DMA,
        pltpu.SemaphoreType.DMA,
    ],
)
def _sc_gather(syn0, syn1, idx_all, out0, out1, outs,
               idx_v, rows_a, rows_b, sem_a, sem_b):
    wid = lax.axis_index("s") * NUM_CORES + lax.axis_index("c")
    base = wid * BPW

    for j in range(NGATHER):
        pltpu.sync_copy(idx_all.at[pl.ds(j * BATCH + base, BPW)],
                        idx_v.at[pl.ds(j * BPW, BPW)])

    bufs = (rows_a, rows_b)
    sems = (sem_a, sem_b)
    copies = [None, None]

    def _table(j):
        return syn0 if j == 0 else syn1

    def _dst(j):
        if j == 0:
            return out0.at[pl.ds(base, BPW)]
        if j == 1:
            return out1.at[pl.ds(base, BPW)]
        return outs.at[pl.ds((j - 2) * BATCH + base, BPW)]

    for j in range(NGATHER):
        s = j % 2
        copies[s] = pltpu.async_copy(
            _table(j).at[idx_v.at[pl.ds(j * BPW, BPW)]], bufs[s], sems[s])
        if j > 0:
            copies[1 - s].wait()
            pltpu.sync_copy(bufs[1 - s], _dst(j - 1))
    copies[(NGATHER - 1) % 2].wait()
    pltpu.sync_copy(bufs[(NGATHER - 1) % 2], _dst(NGATHER - 1))


_T_VB = 32768
_T_VB2 = _T_VB // 2
_T_GRID = pl.cdiv(VOCAB, _T_VB)
VOCAB_P = _T_GRID * _T_VB


def _tc_transpose_body(src_ref, eyel_ref, eyer_ref, dst_ref):
    srcl = src_ref[:, :_T_VB2].astype(jnp.bfloat16)
    srcr = src_ref[:, _T_VB2:].astype(jnp.bfloat16)
    dst_ref[...] = (
        jax.lax.dot_general(srcl, eyel_ref[...], (((0,), (0,)), ((), ())),
                            preferred_element_type=jnp.float32)
        + jax.lax.dot_general(srcr, eyer_ref[...], (((0,), (0,)), ((), ())),
                              preferred_element_type=jnp.float32))


_tc_transpose = pl.pallas_call(
    _tc_transpose_body,
    grid=(_T_GRID,),
    in_specs=[
        pl.BlockSpec((HIDDEN, _T_VB), lambda i: (0, i)),
        pl.BlockSpec((HIDDEN, 2 * HIDDEN), lambda i: (0, 0)),
        pl.BlockSpec((HIDDEN, 2 * HIDDEN), lambda i: (0, 0)),
    ],
    out_specs=pl.BlockSpec((_T_VB2, 2 * HIDDEN), lambda i: (i, 0)),
    out_shape=jax.ShapeDtypeStruct((VOCAB_P // 2, 2 * HIDDEN), jnp.float32),
)


def _permute_idx(v):
    return (v // _T_VB) * _T_VB + (v % _T_VB2) * 2 + (v % _T_VB) // _T_VB2


_TC_BLK = 2048
_TC_BLK2 = _TC_BLK // 2


def _tc_loss_body(in0_ref, t1_ref, s1_ref, out_ref):
    a = in0_ref[...]
    pt = a * t1_ref[...]
    tl = jnp.concatenate([jnp.sum(pt[:, :HIDDEN], axis=1),
                          jnp.sum(pt[:, HIDDEN:], axis=1)])
    out_ref[0, :] = jax.nn.softplus(-tl)
    for n in range(NEG):
        ps = a * s1_ref[n]
        sl = jnp.concatenate([jnp.sum(ps[:, :HIDDEN], axis=1),
                              jnp.sum(ps[:, HIDDEN:], axis=1)])
        out_ref[1 + n, :] = jax.nn.softplus(sl)
    out_ref[6, :] = jnp.zeros((_TC_BLK,), jnp.float32)
    out_ref[7, :] = jnp.zeros((_TC_BLK,), jnp.float32)


_tc_loss = pl.pallas_call(
    _tc_loss_body,
    grid=(BATCH // _TC_BLK,),
    in_specs=[
        pl.BlockSpec((_TC_BLK2, 2 * HIDDEN), lambda i: (i, 0)),
        pl.BlockSpec((_TC_BLK2, 2 * HIDDEN), lambda i: (i, 0)),
        pl.BlockSpec((NEG, _TC_BLK2, 2 * HIDDEN), lambda i: (0, i, 0)),
    ],
    out_specs=pl.BlockSpec((8, _TC_BLK), lambda i: (0, i)),
    out_shape=jax.ShapeDtypeStruct((8, BATCH), jnp.float32),
)


def kernel(syn0, syn1, inputs, labels, sampled_ids):
    idx_all = _permute_idx(jnp.concatenate([
        inputs.astype(jnp.int32),
        labels.astype(jnp.int32),
        sampled_ids.astype(jnp.int32).reshape(-1),
    ]))
    eyel = jnp.eye(HIDDEN, 2 * HIDDEN, dtype=jnp.bfloat16)
    eyer = jnp.eye(HIDDEN, 2 * HIDDEN, HIDDEN, dtype=jnp.bfloat16)
    syn0_rm = _tc_transpose(syn0.T, eyel, eyer).reshape(VOCAB_P, HIDDEN)
    syn1_rm = _tc_transpose(syn1.T, eyel, eyer).reshape(VOCAB_P, HIDDEN)
    in0, t1, s1 = _sc_gather(syn0_rm, syn1_rm, idx_all)
    loss_t = _tc_loss(in0.reshape(BATCH // 2, 2 * HIDDEN),
                      t1.reshape(BATCH // 2, 2 * HIDDEN),
                      s1.reshape(NEG, BATCH // 2, 2 * HIDDEN))
    lt = loss_t[:6].reshape(6, BATCH // _TC_BLK, 2, _TC_BLK2)
    return lt.transpose(0, 1, 3, 2).reshape(6, BATCH).T

# --- scband reference (transcript-rebuilt; emitter-appended) ---
"""Pipeline reference for scband-word2-vec-model-77446850281559 (READ-ONLY COPY).

The authoritative reference and input builder live on the scoring server;
editing this copy changes nothing except your own understanding.
"""

import jax, jax.numpy as jnp
import numpy as np

VOCAB = 1000000
HIDDEN = 64
BATCH = 16384
NEG = 5


def setup_inputs(seed: int = 0) -> dict:
    key = jax.random.key(seed)
    ks = jax.random.split(key, 5)
    inputs = jax.random.randint(ks[0], (BATCH,), 0, VOCAB, dtype=jnp.int64 if jax.config.jax_enable_x64 else jnp.int32)
    labels = jax.random.randint(ks[1], (BATCH,), 0, VOCAB, dtype=jnp.int64 if jax.config.jax_enable_x64 else jnp.int32)
    sampled_ids = jax.random.randint(ks[2], (NEG, BATCH), 0, VOCAB, dtype=jnp.int64 if jax.config.jax_enable_x64 else jnp.int32)
    # learned parameters, initialized as in build_weights()
    syn0 = jax.random.uniform(ks[3], (VOCAB, HIDDEN), minval=-0.5 / HIDDEN, maxval=0.5 / HIDDEN, dtype=jnp.float32)
    syn1 = jax.random.uniform(ks[4], (VOCAB, HIDDEN), minval=-0.1, maxval=0.1, dtype=jnp.float32)
    return {"syn0": syn0, "syn1": syn1, "inputs": inputs, "labels": labels, "sampled_ids": sampled_ids}


def reference(syn0, syn1, inputs, labels, sampled_ids):
    # gather target embeddings for center words and context embeddings for true labels
    inputs_syn0 = jnp.take(syn0, inputs, axis=0)          # [B, H]
    true_syn1 = jnp.take(syn1, labels, axis=0)            # [B, H]
    # gather context embeddings for the pre-drawn negative samples
    sampled_syn1 = jnp.take(syn1, sampled_ids, axis=0)    # [NEG, B, H] (stacked per-negative batches)
    # true logits: dot(center, true context) per example
    true_logits = jnp.sum(inputs_syn0 * true_syn1, axis=1)  # [B]
    # sampled logits: einsum('ijk,ikl->il') with inputs_syn0[:,None,:] and sampled_syn1.permute(1,2,0)
    sampled_logits = jnp.einsum('bh,bhn->bn', inputs_syn0, jnp.transpose(sampled_syn1, (1, 2, 0)))  # [B, NEG]
    # BCEWithLogitsLoss(reduction='none'): target=1 -> softplus(-x); target=0 -> softplus(x)
    true_cross_entropy = jax.nn.softplus(-true_logits)          # [B]
    sampled_cross_entropy = jax.nn.softplus(sampled_logits)     # [B, NEG]
    loss = jnp.concatenate([true_cross_entropy[:, None], sampled_cross_entropy], axis=1)  # [B, 1+NEG]
    return loss

if __name__ == "__main__":
    import jax
    _d = setup_inputs()
    print(jax.jit(kernel)(*tuple(_d.values())))

</pallas_src>

<mosaic_0001>
#map = affine_map<(d0, d1) -> (0, 0)>
#map1 = affine_map<(d0, d1) -> (0)>
module attributes {stable_mosaic.version = 14 : i64} {
  func.func @_sc_gather(%arg0: i32, %arg1: i32, %arg2: memref<1015808x64xf32, #tpu.memory_space<hbm>>, %arg3: memref<1015808x64xf32, #tpu.memory_space<hbm>>, %arg4: memref<114688xi32, #tpu.memory_space<hbm>>, %arg5: memref<16384x64xf32, #tpu.memory_space<hbm>>, %arg6: memref<16384x64xf32, #tpu.memory_space<hbm>>, %arg7: memref<81920x64xf32, #tpu.memory_space<hbm>>, %arg8: memref<3584xi32, #tpu.memory_space<vmem>>, %arg9: memref<512x64xf32, #tpu.memory_space<vmem>>, %arg10: memref<512x64xf32, #tpu.memory_space<vmem>>, %arg11: memref<!tpu.dma_semaphore, #tpu.memory_space<semaphore_mem>>, %arg12: memref<!tpu.dma_semaphore, #tpu.memory_space<semaphore_mem>>) attributes {dimension_semantics = [#tpu.dimension_semantics<core_parallel>, #tpu.dimension_semantics<subcore_parallel>], iteration_bounds = array<i64: 2, 16>, scalar_prefetch = 0 : i64, scratch_operands = 5 : i64, tpu.core_type = #tpu.core_type<sc_vector_subcore>, window_params = [{transform_indices = #map}, {transform_indices = #map}, {transform_indices = #map1}, {transform_indices = #map}, {transform_indices = #map}, {transform_indices = #map}]} {
    %mul3A = arith.constant 2 : i32
    %mul3A_0 = arith.muli %arg1, %mul3A : i32
    %add3A = arith.addi %mul3A_0, %arg0 : i32
    %mul3A_1 = arith.constant 512 : i32
    %mul3A_2 = arith.muli %add3A, %mul3A_1 : i32
    %add3A_3 = arith.constant 0 : i32
    %add3A_4 = arith.addi %add3A_3, %mul3A_2 : i32
    "tpu.region"() ({
      %run_scoped3A = tpu.sem_alloc : memref<!tpu.dma_semaphore, #tpu.memory_space<semaphore_mem>>
      %dma_start3A_95 = arith.constant 0 : i32
      %dma_start3A_96 = tpu.memref_slice %arg8[%dma_start3A_95] : memref<3584xi32, #tpu.memory_space<vmem>> -> memref<512xi32, #tpu.memory_space<vmem>>
      %dma_start3A_97 = tpu.memref_slice %arg4[%add3A_4] : memref<114688xi32, #tpu.memory_space<hbm>> -> memref<512xi32, #tpu.memory_space<hbm>>
      %dma_start3A_98 = arith.constant 0 : i32
      %dma_start3A_99 = tpu.memref_slice %arg8[%dma_start3A_98] : memref<3584xi32, #tpu.memory_space<vmem>> -> memref<512xi32, #tpu.memory_space<vmem>>
      %dma_start3A_100 = tpu.memref_slice %arg4[%add3A_4] : memref<114688xi32, #tpu.memory_space<hbm>> -> memref<512xi32, #tpu.memory_space<hbm>>
      tpu.enqueue_dma source(%dma_start3A_100 : memref<512xi32, #tpu.memory_space<hbm>>) target(%dma_start3A_99 : memref<512xi32, #tpu.memory_space<vmem>>) target_semaphore(%run_scoped3A : memref<!tpu.dma_semaphore, #tpu.memory_space<semaphore_mem>>)
      %dma_wait3A_101 = arith.constant 0 : i32
      %dma_wait3A_102 = tpu.memref_slice %arg8[%dma_wait3A_101] : memref<3584xi32, #tpu.memory_space<vmem>> -> memref<512xi32, #tpu.memory_space<vmem>>
      %dma_wait3A_103 = tpu.memref_slice %arg4[%add3A_4] : memref<114688xi32, #tpu.memory_space<hbm>> -> memref<512xi32, #tpu.memory_space<hbm>>
      %dma_wait3A_104 = arith.constant 0 : i32
      %dma_wait3A_105 = tpu.memref_slice %arg8[%dma_wait3A_104] : memref<3584xi32, #tpu.memory_space<vmem>> -> memref<512xi32, #tpu.memory_space<vmem>>
      %dma_wait3A_106 = tpu.memref_slice %arg4[%add3A_4] : memref<114688xi32, #tpu.memory_space<hbm>> -> memref<512xi32, #tpu.memory_space<hbm>>
      tpu.wait_dma2 semaphore(%run_scoped3A : memref<!tpu.dma_semaphore, #tpu.memory_space<semaphore_mem>>) src(%dma_wait3A_106 : memref<512xi32, #tpu.memory_space<hbm>>) dst(%dma_wait3A_105 : memref<512xi32, #tpu.memory_space<vmem>>)
      tpu.yield
    }) : () -> ()
    %add3A_5 = arith.constant 16384 : i32
    %add3A_6 = arith.addi %add3A_5, %mul3A_2 : i32
    "tpu.region"() ({
      %run_scoped3A = tpu.sem_alloc : memref<!tpu.dma_semaphore, #tpu.memory_space<semaphore_mem>>
      %dma_start3A_95 = arith.constant 512 : i32
      %dma_start3A_96 = tpu.memref_slice %arg8[%dma_start3A_95] : memref<3584xi32, #tpu.memory_space<vmem>> -> memref<512xi32, #tpu.memory_space<vmem>>
      %dma_start3A_97 = tpu.memref_slice %arg4[%add3A_6] : memref<114688xi32, #tpu.memory_space<hbm>> -> memref<512xi32, #tpu.memory_space<hbm>>
      %dma_start3A_98 = arith.constant 512 : i32
      %dma_start3A_99 = tpu.memref_slice %arg8[%dma_start3A_98] : memref<3584xi32, #tpu.memory_space<vmem>> -> memref<512xi32, #tpu.memory_space<vmem>>
      %dma_start3A_100 = tpu.memref_slice %arg4[%add3A_6] : memref<114688xi32, #tpu.memory_space<hbm>> -> memref<512xi32, #tpu.memory_space<hbm>>
      tpu.enqueue_dma source(%dma_start3A_100 : memref<512xi32, #tpu.memory_space<hbm>>) target(%dma_start3A_99 : memref<512xi32, #tpu.memory_space<vmem>>) target_semaphore(%run_scoped3A : memref<!tpu.dma_semaphore, #tpu.memory_space<semaphore_mem>>)
      %dma_wait3A_101 = arith.constant 512 : i32
      %dma_wait3A_102 = tpu.memref_slice %arg8[%dma_wait3A_101] : memref<3584xi32, #tpu.memory_space<vmem>> -> memref<512xi32, #tpu.memory_space<vmem>>
      %dma_wait3A_103 = tpu.memref_slice %arg4[%add3A_6] : memref<114688xi32, #tpu.memory_space<hbm>> -> memref<512xi32, #tpu.memory_space<hbm>>
      %dma_wait3A_104 = arith.constant 512 : i32
      %dma_wait3A_105 = tpu.memref_slice %arg8[%dma_wait3A_104] : memref<3584xi32, #tpu.memory_space<vmem>> -> memref<512xi32, #tpu.memory_space<vmem>>
      %dma_wait3A_106 = tpu.memref_slice %arg4[%add3A_6] : memref<114688xi32, #tpu.memory_space<hbm>> -> memref<512xi32, #tpu.memory_space<hbm>>
      tpu.wait_dma2 semaphore(%run_scoped3A : memref<!tpu.dma_semaphore, #tpu.memory_space<semaphore_mem>>) src(%dma_wait3A_106 : memref<512xi32, #tpu.memory_space<hbm>>) dst(%dma_wait3A_105 : memref<512xi32, #tpu.memory_space<vmem>>)
      tpu.yield
    }) : () -> ()
    %add3A_7 = arith.constant 32768 : i32
    %add3A_8 = arith.addi %add3A_7, %mul3A_2 : i32
    "tpu.region"() ({
      %run_scoped3A = tpu.sem_alloc : memref<!tpu.dma_semaphore, #tpu.memory_space<semaphore_mem>>
      %dma_start3A_95 = arith.constant 1024 : i32
      %dma_start3A_96 = tpu.memref_slice %arg8[%dma_start3A_95] : memref<3584xi32, #tpu.memory_space<vmem>> -> memref<512xi32, #tpu.memory_space<vmem>>
      %dma_start3A_97 = tpu.memref_slice %arg4[%add3A_8] : memref<114688xi32, #tpu.memory_space<hbm>> -> memref<512xi32, #tpu.memory_space<hbm>>
      %dma_start3A_98 = arith.constant 1024 : i32
      %dma_start3A_99 = tpu.memref_slice %arg8[%dma_start3A_98] : memref<3584xi32, #tpu.memory_space<vmem>> -> memref<512xi32, #tpu.memory_space<vmem>>
      %dma_start3A_100 = tpu.memref_slice %arg4[%add3A_8] : memref<114688xi32, #tpu.memory_space<hbm>> -> memref<512xi32, #tpu.memory_space<hbm>>
      tpu.enqueue_dma source(%dma_start3A_100 : memref<512xi32, #tpu.memory_space<hbm>>) target(%dma_start3A_99 : memref<512xi32, #tpu.memory_space<vmem>>) target_semaphore(%run_scoped3A : memref<!tpu.dma_semaphore, #tpu.memory_space<semaphore_mem>>)
      %dma_wait3A_101 = arith.constant 1024 : i32
      %dma_wait3A_102 = tpu.memref_slice %arg8[%dma_wait3A_101] : memref<3584xi32, #tpu.memory_space<vmem>> -> memref<512xi32, #tpu.memory_space<vmem>>
      %dma_wait3A_103 = tpu.memref_slice %arg4[%add3A_8] : memref<114688xi32, #tpu.memory_space<hbm>> -> memref<512xi32, #tpu.memory_space<hbm>>
      %dma_wait3A_104 = arith.constant 1024 : i32
      %dma_wait3A_105 = tpu.memref_slice %arg8[%dma_wait3A_104] : memref<3584xi32, #tpu.memory_space<vmem>> -> memref<512xi32, #tpu.memory_space<vmem>>
      %dma_wait3A_106 = tpu.memref_slice %arg4[%add3A_8] : memref<114688xi32, #tpu.memory_space<hbm>> -> memref<512xi32, #tpu.memory_space<hbm>>
      tpu.wait_dma2 semaphore(%run_scoped3A : memref<!tpu.dma_semaphore, #tpu.memory_space<semaphore_mem>>) src(%dma_wait3A_106 : memref<512xi32, #tpu.memory_space<hbm>>) dst(%dma_wait3A_105 : memref<512xi32, #tpu.memory_space<vmem>>)
      tpu.yield
    }) : () -> ()
    %add3A_9 = arith.constant 49152 : i32
    %add3A_10 = arith.addi %add3A_9, %mul3A_2 : i32
    "tpu.region"() ({
      %run_scoped3A = tpu.sem_alloc : memref<!tpu.dma_semaphore, #tpu.memory_space<semaphore_mem>>
      %dma_start3A_95 = arith.constant 1536 : i32
      %dma_start3A_96 = tpu.memref_slice %arg8[%dma_start3A_95] : memref<3584xi32, #tpu.memory_space<vmem>> -> memref<512xi32, #tpu.memory_space<vmem>>
      %dma_start3A_97 = tpu.memref_slice %arg4[%add3A_10] : memref<114688xi32, #tpu.memory_space<hbm>> -> memref<512xi32, #tpu.memory_space<hbm>>
      %dma_start3A_98 = arith.constant 1536 : i32
      %dma_start3A_99 = tpu.memref_slice %arg8[%dma_start3A_98] : memref<3584xi32, #tpu.memory_space<vmem>> -> memref<512xi32, #tpu.memory_space<vmem>>
      %dma_start3A_100 = tpu.memref_slice %arg4[%add3A_10] : memref<114688xi32, #tpu.memory_space<hbm>> -> memref<512xi32, #tpu.memory_space<hbm>>
      tpu.enqueue_dma source(%dma_start3A_100 : memref<512xi32, #tpu.memory_space<hbm>>) target(%dma_start3A_99 : memref<512xi32, #tpu.memory_space<vmem>>) target_semaphore(%run_scoped3A : memref<!tpu.dma_semaphore, #tpu.memory_space<semaphore_mem>>)
      %dma_wait3A_101 = arith.constant 1536 : i32
      %dma_wait3A_102 = tpu.memref_slice %arg8[%dma_wait3A_101] : memref<3584xi32, #tpu.memory_space<vmem>> -> memref<512xi32, #tpu.memory_space<vmem>>
      %dma_wait3A_103 = tpu.memref_slice %arg4[%add3A_10] : memref<114688xi32, #tpu.memory_space<hbm>> -> memref<512xi32, #tpu.memory_space<hbm>>
      %dma_wait3A_104 = arith.constant 1536 : i32
      %dma_wait3A_105 = tpu.memref_slice %arg8[%dma_wait3A_104] : memref<3584xi32, #tpu.memory_space<vmem>> -> memref<512xi32, #tpu.memory_space<vmem>>
      %dma_wait3A_106 = tpu.memref_slice %arg4[%add3A_10] : memref<114688xi32, #tpu.memory_space<hbm>> -> memref<512xi32, #tpu.memory_space<hbm>>
      tpu.wait_dma2 semaphore(%run_scoped3A : memref<!tpu.dma_semaphore, #tpu.memory_space<semaphore_mem>>) src(%dma_wait3A_106 : memref<512xi32, #tpu.memory_space<hbm>>) dst(%dma_wait3A_105 : memref<512xi32, #tpu.memory_space<vmem>>)
      tpu.yield
    }) : () -> ()
    %add3A_11 = arith.constant 65536 : i32
    %add3A_12 = arith.addi %add3A_11, %mul3A_2 : i32
    "tpu.region"() ({
      %run_scoped3A = tpu.sem_alloc : memref<!tpu.dma_semaphore, #tpu.memory_space<semaphore_mem>>
      %dma_start3A_95 = arith.constant 2048 : i32
      %dma_start3A_96 = tpu.memref_slice %arg8[%dma_start3A_95] : memref<3584xi32, #tpu.memory_space<vmem>> -> memref<512xi32, #tpu.memory_space<vmem>>
      %dma_start3A_97 = tpu.memref_slice %arg4[%add3A_12] : memref<114688xi32, #tpu.memory_space<hbm>> -> memref<512xi32, #tpu.memory_space<hbm>>
      %dma_start3A_98 = arith.constant 2048 : i32
      %dma_start3A_99 = tpu.memref_slice %arg8[%dma_start3A_98] : memref<3584xi32, #tpu.memory_space<vmem>> -> memref<512xi32, #tpu.memory_space<vmem>>
      %dma_start3A_100 = tpu.memref_slice %arg4[%add3A_12] : memref<114688xi32, #tpu.memory_space<hbm>> -> memref<512xi32, #tpu.memory_space<hbm>>
      tpu.enqueue_dma source(%dma_start3A_100 : memref<512xi32, #tpu.memory_space<hbm>>) target(%dma_start3A_99 : memref<512xi32, #tpu.memory_space<vmem>>) target_semaphore(%run_scoped3A : memref<!tpu.dma_semaphore, #tpu.memory_space<semaphore_mem>>)
      %dma_wait3A_101 = arith.constant 2048 : i32
      %dma_wait3A_102 = tpu.memref_slice %arg8[%dma_wait3A_101] : memref<3584xi32, #tpu.memory_space<vmem>> -> memref<512xi32, #tpu.memory_space<vmem>>
      %dma_wait3A_103 = tpu.memref_slice %arg4[%add3A_12] : memref<114688xi32, #tpu.memory_space<hbm>> -> memref<512xi32, #tpu.memory_space<hbm>>
      %dma_wait3A_104 = arith.constant 2048 : i32
      %dma_wait3A_105 = tpu.memref_slice %arg8[%dma_wait3A_104] : memref<3584xi32, #tpu.memory_space<vmem>> -> memref<512xi32, #tpu.memory_space<vmem>>
      %dma_wait3A_106 = tpu.memref_slice %arg4[%add3A_12] : memref<114688xi32, #tpu.memory_space<hbm>> -> memref<512xi32, #tpu.memory_space<hbm>>
      tpu.wait_dma2 semaphore(%run_scoped3A : memref<!tpu.dma_semaphore, #tpu.memory_space<semaphore_mem>>) src(%dma_wait3A_106 : memref<512xi32, #tpu.memory_space<hbm>>) dst(%dma_wait3A_105 : memref<512xi32, #tpu.memory_space<vmem>>)
      tpu.yield
    }) : () -> ()
    %add3A_13 = arith.constant 81920 : i32
    %add3A_14 = arith.addi %add3A_13, %mul3A_2 : i32
    "tpu.region"() ({
      %run_scoped3A = tpu.sem_alloc : memref<!tpu.dma_semaphore, #tpu.memory_space<semaphore_mem>>
      %dma_start3A_95 = arith.constant 2560 : i32
      %dma_start3A_96 = tpu.memref_slice %arg8[%dma_start3A_95] : memref<3584xi32, #tpu.memory_space<vmem>> -> memref<512xi32, #tpu.memory_space<vmem>>
      %dma_start3A_97 = tpu.memref_slice %arg4[%add3A_14] : memref<114688xi32, #tpu.memory_space<hbm>> -> memref<512xi32, #tpu.memory_space<hbm>>
      %dma_start3A_98 = arith.constant 2560 : i32
      %dma_start3A_99 = tpu.memref_slice %arg8[%dma_start3A_98] : memref<3584xi32, #tpu.memory_space<vmem>> -> memref<512xi32, #tpu.memory_space<vmem>>
      %dma_start3A_100 = tpu.memref_slice %arg4[%add3A_14] : memref<114688xi32, #tpu.memory_space<hbm>> -> memref<512xi32, #tpu.memory_space<hbm>>
      tpu.enqueue_dma source(%dma_start3A_100 : memref<512xi32, #tpu.memory_space<hbm>>) target(%dma_start3A_99 : memref<512xi32, #tpu.memory_space<vmem>>) target_semaphore(%run_scoped3A : memref<!tpu.dma_semaphore, #tpu.memory_space<semaphore_mem>>)
      %dma_wait3A_101 = arith.constant 2560 : i32
      %dma_wait3A_102 = tpu.memref_slice %arg8[%dma_wait3A_101] : memref<3584xi32, #tpu.memory_space<vmem>> -> memref<512xi32, #tpu.memory_space<vmem>>
      %dma_wait3A_103 = tpu.memref_slice %arg4[%add3A_14] : memref<114688xi32, #tpu.memory_space<hbm>> -> memref<512xi32, #tpu.memory_space<hbm>>
      %dma_wait3A_104 = arith.constant 2560 : i32
      %dma_wait3A_105 = tpu.memref_slice %arg8[%dma_wait3A_104] : memref<3584xi32, #tpu.memory_space<vmem>> -> memref<512xi32, #tpu.memory_space<vmem>>
      %dma_wait3A_106 = tpu.memref_slice %arg4[%add3A_14] : memref<114688xi32, #tpu.memory_space<hbm>> -> memref<512xi32, #tpu.memory_space<hbm>>
      tpu.wait_dma2 semaphore(%run_scoped3A : memref<!tpu.dma_semaphore, #tpu.memory_space<semaphore_mem>>) src(%dma_wait3A_106 : memref<512xi32, #tpu.memory_space<hbm>>) dst(%dma_wait3A_105 : memref<512xi32, #tpu.memory_space<vmem>>)
      tpu.yield
    }) : () -> ()
    %add3A_15 = arith.constant 98304 : i32
    %add3A_16 = arith.addi %add3A_15, %mul3A_2 : i32
    "tpu.region"() ({
      %run_scoped3A = tpu.sem_alloc : memref<!tpu.dma_semaphore, #tpu.memory_space<semaphore_mem>>
      %dma_start3A_95 = arith.constant 3072 : i32
      %dma_start3A_96 = tpu.memref_slice %arg8[%dma_start3A_95] : memref<3584xi32, #tpu.memory_space<vmem>> -> memref<512xi32, #tpu.memory_space<vmem>>
      %dma_start3A_97 = tpu.memref_slice %arg4[%add3A_16] : memref<114688xi32, #tpu.memory_space<hbm>> -> memref<512xi32, #tpu.memory_space<hbm>>
      %dma_start3A_98 = arith.constant 3072 : i32
      %dma_start3A_99 = tpu.memref_slice %arg8[%dma_start3A_98] : memref<3584xi32, #tpu.memory_space<vmem>> -> memref<512xi32, #tpu.memory_space<vmem>>
      %dma_start3A_100 = tpu.memref_slice %arg4[%add3A_16] : memref<114688xi32, #tpu.memory_space<hbm>> -> memref<512xi32, #tpu.memory_space<hbm>>
      tpu.enqueue_dma source(%dma_start3A_100 : memref<512xi32, #tpu.memory_space<hbm>>) target(%dma_start3A_99 : memref<512xi32, #tpu.memory_space<vmem>>) target_semaphore(%run_scoped3A : memref<!tpu.dma_semaphore, #tpu.memory_space<semaphore_mem>>)
      %dma_wait3A_101 = arith.constant 3072 : i32
      %dma_wait3A_102 = tpu.memref_slice %arg8[%dma_wait3A_101] : memref<3584xi32, #tpu.memory_space<vmem>> -> memref<512xi32, #tpu.memory_space<vmem>>
      %dma_wait3A_103 = tpu.memref_slice %arg4[%add3A_16] : memref<114688xi32, #tpu.memory_space<hbm>> -> memref<512xi32, #tpu.memory_space<hbm>>
      %dma_wait3A_104 = arith.constant 3072 : i32
      %dma_wait3A_105 = tpu.memref_slice %arg8[%dma_wait3A_104] : memref<3584xi32, #tpu.memory_space<vmem>> -> memref<512xi32, #tpu.memory_space<vmem>>
      %dma_wait3A_106 = tpu.memref_slice %arg4[%add3A_16] : memref<114688xi32, #tpu.memory_space<hbm>> -> memref<512xi32, #tpu.memory_space<hbm>>
      tpu.wait_dma2 semaphore(%run_scoped3A : memref<!tpu.dma_semaphore, #tpu.memory_space<semaphore_mem>>) src(%dma_wait3A_106 : memref<512xi32, #tpu.memory_space<hbm>>) dst(%dma_wait3A_105 : memref<512xi32, #tpu.memory_space<vmem>>)
      tpu.yield
    }) : () -> ()
    %dma_start3A = arith.constant 0 : i32
    %dma_start3A_17 = tpu.memref_slice %arg8[%dma_start3A] : memref<3584xi32, #tpu.memory_space<vmem>> -> memref<512xi32, #tpu.memory_space<vmem>>
    %dma_start3A_18 = arith.constant 0 : i32
    %dma_start3A_19 = arith.constant 0 : i32
    %dma_start3A_20 = tpu.memref_slice %arg2[%dma_start3A_18, %dma_start3A_19] : memref<1015808x64xf32, #tpu.memory_space<hbm>> -> memref<1015808x64xf32, #tpu.memory_space<hbm>>
    tpu.enqueue_indirect_dma source(%dma_start3A_20 : memref<1015808x64xf32, #tpu.memory_space<hbm>>) target(%arg9 : memref<512x64xf32, #tpu.memory_space<vmem>>) offsets(%dma_start3A_17 : memref<512xi32, #tpu.memory_space<vmem>>) semaphore(%arg11 : memref<!tpu.dma_semaphore, #tpu.memory_space<semaphore_mem>>)
    %dma_start3A_21 = arith.constant 512 : i32
    %dma_start3A_22 = tpu.memref_slice %arg8[%dma_start3A_21] : memref<3584xi32, #tpu.memory_space<vmem>> -> memref<512xi32, #tpu.memory_space<vmem>>
    %dma_start3A_23 = arith.constant 0 : i32
    %dma_start3A_24 = arith.constant 0 : i32
    %dma_start3A_25 = tpu.memref_slice %arg3[%dma_start3A_23, %dma_start3A_24] : memref<1015808x64xf32, #tpu.memory_space<hbm>> -> memref<1015808x64xf32, #tpu.memory_space<hbm>>
    tpu.enqueue_indirect_dma source(%dma_start3A_25 : memref<1015808x64xf32, #tpu.memory_space<hbm>>) target(%arg10 : memref<512x64xf32, #tpu.memory_space<vmem>>) offsets(%dma_start3A_22 : memref<512xi32, #tpu.memory_space<vmem>>) semaphore(%arg12 : memref<!tpu.dma_semaphore, #tpu.memory_space<semaphore_mem>>)
    %dma_wait3A = arith.constant 0 : i32
    %dma_wait3A_26 = tpu.memref_slice %arg8[%dma_wait3A] : memref<3584xi32, #tpu.memory_space<vmem>> -> memref<512xi32, #tpu.memory_space<vmem>>
    %dma_wait3A_27 = arith.constant 0 : i32
    %dma_wait3A_28 = arith.constant 0 : i32
    %dma_wait3A_29 = tpu.memref_slice %arg2[%dma_wait3A_27, %dma_wait3A_28] : memref<1015808x64xf32, #tpu.memory_space<hbm>> -> memref<1015808x64xf32, #tpu.memory_space<hbm>>
    tpu.wait_indirect_dma semaphore(%arg11 : memref<!tpu.dma_semaphore, #tpu.memory_space<semaphore_mem>>) src(%dma_wait3A_29 : memref<1015808x64xf32, #tpu.memory_space<hbm>>) dst(%arg9 : memref<512x64xf32, #tpu.memory_space<vmem>>)
    "tpu.region"() ({
      %run_scoped3A = tpu.sem_alloc : memref<!tpu.dma_semaphore, #tpu.memory_space<semaphore_mem>>
      %dma_start3A_95 = arith.constant 0 : i32
      %dma_start3A_96 = tpu.memref_slice %arg5[%mul3A_2, %dma_start3A_95] : memref<16384x64xf32, #tpu.memory_space<hbm>> -> memref<512x64xf32, #tpu.memory_space<hbm>>
      %dma_start3A_97 = arith.constant 0 : i32
      %dma_start3A_98 = tpu.memref_slice %arg5[%mul3A_2, %dma_start3A_97] : memref<16384x64xf32, #tpu.memory_space<hbm>> -> memref<512x64xf32, #tpu.memory_space<hbm>>
      tpu.enqueue_dma source(%arg9 : memref<512x64xf32, #tpu.memory_space<vmem>>) target(%dma_start3A_98 : memref<512x64xf32, #tpu.memory_space<hbm>>) target_semaphore(%run_scoped3A : memref<!tpu.dma_semaphore, #tpu.memory_space<semaphore_mem>>)
      %dma_wait3A_99 = arith.constant 0 : i32
      %dma_wait3A_100 = tpu.memref_slice %arg5[%mul3A_2, %dma_wait3A_99] : memref<16384x64xf32, #tpu.memory_space<hbm>> -> memref<512x64xf32, #tpu.memory_space<hbm>>
      %dma_wait3A_101 = arith.constant 0 : i32
      %dma_wait3A_102 = tpu.memref_slice %arg5[%mul3A_2, %dma_wait3A_101] : memref<16384x64xf32, #tpu.memory_space<hbm>> -> memref<512x64xf32, #tpu.memory_space<hbm>>
      tpu.wait_dma2 semaphore(%run_scoped3A : memref<!tpu.dma_semaphore, #tpu.memory_space<semaphore_mem>>) src(%arg9 : memref<512x64xf32, #tpu.memory_space<vmem>>) dst(%dma_wait3A_102 : memref<512x64xf32, #tpu.memory_space<hbm>>)
      tpu.yield
    }) : () -> ()
    %dma_start3A_30 = arith.constant 1024 : i32
    %dma_start3A_31 = tpu.memref_slice %arg8[%dma_start3A_30] : memref<3584xi32, #tpu.memory_space<vmem>> -> memref<512xi32, #tpu.memory_space<vmem>>
    %dma_start3A_32 = arith.constant 0 : i32
    %dma_start3A_33 = arith.constant 0 : i32
    %dma_start3A_34 = tpu.memref_slice %arg3[%dma_start3A_32, %dma_start3A_33] : memref<1015808x64xf32, #tpu.memory_space<hbm>> -> memref<1015808x64xf32, #tpu.memory_space<hbm>>
    tpu.enqueue_indirect_dma source(%dma_start3A_34 : memref<1015808x64xf32, #tpu.memory_space<hbm>>) target(%arg9 : memref<512x64xf32, #tpu.memory_space<vmem>>) offsets(%dma_start3A_31 : memref<512xi32, #tpu.memory_space<vmem>>) semaphore(%arg11 : memref<!tpu.dma_semaphore, #tpu.memory_space<semaphore_mem>>)
    %dma_wait3A_35 = arith.constant 512 : i32
    %dma_wait3A_36 = tpu.memref_slice %arg8[%dma_wait3A_35] : memref<3584xi32, #tpu.memory_space<vmem>> -> memref<512xi32, #tpu.memory_space<vmem>>
    %dma_wait3A_37 = arith.constant 0 : i32
    %dma_wait3A_38 = arith.constant 0 : i32
    %dma_wait3A_39 = tpu.memref_slice %arg3[%dma_wait3A_37, %dma_wait3A_38] : memref<1015808x64xf32, #tpu.memory_space<hbm>> -> memref<1015808x64xf32, #tpu.memory_space<hbm>>
    tpu.wait_indirect_dma semaphore(%arg12 : memref<!tpu.dma_semaphore, #tpu.memory_space<semaphore_mem>>) src(%dma_wait3A_39 : memref<1015808x64xf32, #tpu.memory_space<hbm>>) dst(%arg10 : memref<512x64xf32, #tpu.memory_space<vmem>>)
    "tpu.region"() ({
      %run_scoped3A = tpu.sem_alloc : memref<!tpu.dma_semaphore, #tpu.memory_space<semaphore_mem>>
      %dma_start3A_95 = arith.constant 0 : i32
      %dma_start3A_96 = tpu.memref_slice %arg6[%mul3A_2, %dma_start3A_95] : memref<16384x64xf32, #tpu.memory_space<hbm>> -> memref<512x64xf32, #tpu.memory_space<hbm>>
      %dma_start3A_97 = arith.constant 0 : i32
      %dma_start3A_98 = tpu.memref_slice %arg6[%mul3A_2, %dma_start3A_97] : memref<16384x64xf32, #tpu.memory_space<hbm>> -> memref<512x64xf32, #tpu.memory_space<hbm>>
      tpu.enqueue_dma source(%arg10 : memref<512x64xf32, #tpu.memory_space<vmem>>) target(%dma_start3A_98 : memref<512x64xf32, #tpu.memory_space<hbm>>) target_semaphore(%run_scoped3A : memref<!tpu.dma_semaphore, #tpu.memory_space<semaphore_mem>>)
      %dma_wait3A_99 = arith.constant 0 : i32
      %dma_wait3A_100 = tpu.memref_slice %arg6[%mul3A_2, %dma_wait3A_99] : memref<16384x64xf32, #tpu.memory_space<hbm>> -> memref<512x64xf32, #tpu.memory_space<hbm>>
      %dma_wait3A_101 = arith.constant 0 : i32
      %dma_wait3A_102 = tpu.memref_slice %arg6[%mul3A_2, %dma_wait3A_101] : memref<16384x64xf32, #tpu.memory_space<hbm>> -> memref<512x64xf32, #tpu.memory_space<hbm>>
      tpu.wait_dma2 semaphore(%run_scoped3A : memref<!tpu.dma_semaphore, #tpu.memory_space<semaphore_mem>>) src(%arg10 : memref<512x64xf32, #tpu.memory_space<vmem>>) dst(%dma_wait3A_102 : memref<512x64xf32, #tpu.memory_space<hbm>>)
      tpu.yield
    }) : () -> ()
    %dma_start3A_40 = arith.constant 1536 : i32
    %dma_start3A_41 = tpu.memref_slice %arg8[%dma_start3A_40] : memref<3584xi32, #tpu.memory_space<vmem>> -> memref<512xi32, #tpu.memory_space<vmem>>
    %dma_start3A_42 = arith.constant 0 : i32
    %dma_start3A_43 = arith.constant 0 : i32
    %dma_start3A_44 = tpu.memref_slice %arg3[%dma_start3A_42, %dma_start3A_43] : memref<1015808x64xf32, #tpu.memory_space<hbm>> -> memref<1015808x64xf32, #tpu.memory_space<hbm>>
    tpu.enqueue_indirect_dma source(%dma_start3A_44 : memref<1015808x64xf32, #tpu.memory_space<hbm>>) target(%arg10 : memref<512x64xf32, #tpu.memory_space<vmem>>) offsets(%dma_start3A_41 : memref<512xi32, #tpu.memory_space<vmem>>) semaphore(%arg12 : memref<!tpu.dma_semaphore, #tpu.memory_space<semaphore_mem>>)
    %dma_wait3A_45 = arith.constant 1024 : i32
    %dma_wait3A_46 = tpu.memref_slice %arg8[%dma_wait3A_45] : memref<3584xi32, #tpu.memory_space<vmem>> -> memref<512xi32, #tpu.memory_space<vmem>>
    %dma_wait3A_47 = arith.constant 0 : i32
    %dma_wait3A_48 = arith.constant 0 : i32
    %dma_wait3A_49 = tpu.memref_slice %arg3[%dma_wait3A_47, %dma_wait3A_48] : memref<1015808x64xf32, #tpu.memory_space<hbm>> -> memref<1015808x64xf32, #tpu.memory_space<hbm>>
    tpu.wait_indirect_dma semaphore(%arg11 : memref<!tpu.dma_semaphore, #tpu.memory_space<semaphore_mem>>) src(%dma_wait3A_49 : memref<1015808x64xf32, #tpu.memory_space<hbm>>) dst(%arg9 : memref<512x64xf32, #tpu.memory_space<vmem>>)
    %add3A_50 = arith.constant 0 : i32
    %add3A_51 = arith.addi %add3A_50, %mul3A_2 : i32
    "tpu.region"() ({
      %run_scoped3A = tpu.sem_alloc : memref<!tpu.dma_semaphore, #tpu.memory_space<semaphore_mem>>
      %dma_start3A_95 = arith.constant 0 : i32
      %dma_start3A_96 = tpu.memref_slice %arg7[%add3A_51, %dma_start3A_95] : memref<81920x64xf32, #tpu.memory_space<hbm>> -> memref<512x64xf32, #tpu.memory_space<hbm>>
      %dma_start3A_97 = arith.constant 0 : i32
      %dma_start3A_98 = tpu.memref_slice %arg7[%add3A_51, %dma_start3A_97] : memref<81920x64xf32, #tpu.memory_space<hbm>> -> memref<512x64xf32, #tpu.memory_space<hbm>>
      tpu.enqueue_dma source(%arg9 : memref<512x64xf32, #tpu.memory_space<vmem>>) target(%dma_start3A_98 : memref<512x64xf32, #tpu.memory_space<hbm>>) target_semaphore(%run_scoped3A : memref<!tpu.dma_semaphore, #tpu.memory_space<semaphore_mem>>)
      %dma_wait3A_99 = arith.constant 0 : i32
      %dma_wait3A_100 = tpu.memref_slice %arg7[%add3A_51, %dma_wait3A_99] : memref<81920x64xf32, #tpu.memory_space<hbm>> -> memref<512x64xf32, #tpu.memory_space<hbm>>
      %dma_wait3A_101 = arith.constant 0 : i32
      %dma_wait3A_102 = tpu.memref_slice %arg7[%add3A_51, %dma_wait3A_101] : memref<81920x64xf32, #tpu.memory_space<hbm>> -> memref<512x64xf32, #tpu.memory_space<hbm>>
      tpu.wait_dma2 semaphore(%run_scoped3A : memref<!tpu.dma_semaphore, #tpu.memory_space<semaphore_mem>>) src(%arg9 : memref<512x64xf32, #tpu.memory_space<vmem>>) dst(%dma_wait3A_102 : memref<512x64xf32, #tpu.memory_space<hbm>>)
      tpu.yield
    }) : () -> ()
    %dma_start3A_52 = arith.constant 2048 : i32
    %dma_start3A_53 = tpu.memref_slice %arg8[%dma_start3A_52] : memref<3584xi32, #tpu.memory_space<vmem>> -> memref<512xi32, #tpu.memory_space<vmem>>
    %dma_start3A_54 = arith.constant 0 : i32
    %dma_start3A_55 = arith.constant 0 : i32
    %dma_start3A_56 = tpu.memref_slice %arg3[%dma_start3A_54, %dma_start3A_55] : memref<1015808x64xf32, #tpu.memory_space<hbm>> -> memref<1015808x64xf32, #tpu.memory_space<hbm>>
    tpu.enqueue_indirect_dma source(%dma_start3A_56 : memref<1015808x64xf32, #tpu.memory_space<hbm>>) target(%arg9 : memref<512x64xf32, #tpu.memory_space<vmem>>) offsets(%dma_start3A_53 : memref<512xi32, #tpu.memory_space<vmem>>) semaphore(%arg11 : memref<!tpu.dma_semaphore, #tpu.memory_space<semaphore_mem>>)
    %dma_wait3A_57 = arith.constant 1536 : i32
    %dma_wait3A_58 = tpu.memref_slice %arg8[%dma_wait3A_57] : memref<3584xi32, #tpu.memory_space<vmem>> -> memref<512xi32, #tpu.memory_space<vmem>>
    %dma_wait3A_59 = arith.constant 0 : i32
    %dma_wait3A_60 = arith.constant 0 : i32
    %dma_wait3A_61 = tpu.memref_slice %arg3[%dma_wait3A_59, %dma_wait3A_60] : memref<1015808x64xf32, #tpu.memory_space<hbm>> -> memref<1015808x64xf32, #tpu.memory_space<hbm>>
    tpu.wait_indirect_dma semaphore(%arg12 : memref<!tpu.dma_semaphore, #tpu.memory_space<semaphore_mem>>) src(%dma_wait3A_61 : memref<1015808x64xf32, #tpu.memory_space<hbm>>) dst(%arg10 : memref<512x64xf32, #tpu.memory_space<vmem>>)
    %add3A_62 = arith.constant 16384 : i32
    %add3A_63 = arith.addi %add3A_62, %mul3A_2 : i32
    "tpu.region"() ({
      %run_scoped3A = tpu.sem_alloc : memref<!tpu.dma_semaphore, #tpu.memory_space<semaphore_mem>>
      %dma_start3A_95 = arith.constant 0 : i32
      %dma_start3A_96 = tpu.memref_slice %arg7[%add3A_63, %dma_start3A_95] : memref<81920x64xf32, #tpu.memory_space<hbm>> -> memref<512x64xf32, #tpu.memory_space<hbm>>
      %dma_start3A_97 = arith.constant 0 : i32
      %dma_start3A_98 = tpu.memref_slice %arg7[%add3A_63, %dma_start3A_97] : memref<81920x64xf32, #tpu.memory_space<hbm>> -> memref<512x64xf32, #tpu.memory_space<hbm>>
      tpu.enqueue_dma source(%arg10 : memref<512x64xf32, #tpu.memory_space<vmem>>) target(%dma_start3A_98 : memref<512x64xf32, #tpu.memory_space<hbm>>) target_semaphore(%run_scoped3A : memref<!tpu.dma_semaphore, #tpu.memory_space<semaphore_mem>>)
      %dma_wait3A_99 = arith.constant 0 : i32
      %dma_wait3A_100 = tpu.memref_slice %arg7[%add3A_63, %dma_wait3A_99] : memref<81920x64xf32, #tpu.memory_space<hbm>> -> memref<512x64xf32, #tpu.memory_space<hbm>>
      %dma_wait3A_101 = arith.constant 0 : i32
      %dma_wait3A_102 = tpu.memref_slice %arg7[%add3A_63, %dma_wait3A_101] : memref<81920x64xf32, #tpu.memory_space<hbm>> -> memref<512x64xf32, #tpu.memory_space<hbm>>
      tpu.wait_dma2 semaphore(%run_scoped3A : memref<!tpu.dma_semaphore, #tpu.memory_space<semaphore_mem>>) src(%arg10 : memref<512x64xf32, #tpu.memory_space<vmem>>) dst(%dma_wait3A_102 : memref<512x64xf32, #tpu.memory_space<hbm>>)
      tpu.yield
    }) : () -> ()
    %dma_start3A_64 = arith.constant 2560 : i32
    %dma_start3A_65 = tpu.memref_slice %arg8[%dma_start3A_64] : memref<3584xi32, #tpu.memory_space<vmem>> -> memref<512xi32, #tpu.memory_space<vmem>>
    %dma_start3A_66 = arith.constant 0 : i32
    %dma_start3A_67 = arith.constant 0 : i32
    %dma_start3A_68 = tpu.memref_slice %arg3[%dma_start3A_66, %dma_start3A_67] : memref<1015808x64xf32, #tpu.memory_space<hbm>> -> memref<1015808x64xf32, #tpu.memory_space<hbm>>
    tpu.enqueue_indirect_dma source(%dma_start3A_68 : memref<1015808x64xf32, #tpu.memory_space<hbm>>) target(%arg10 : memref<512x64xf32, #tpu.memory_space<vmem>>) offsets(%dma_start3A_65 : memref<512xi32, #tpu.memory_space<vmem>>) semaphore(%arg12 : memref<!tpu.dma_semaphore, #tpu.memory_space<semaphore_mem>>)
    %dma_wait3A_69 = arith.constant 2048 : i32
    %dma_wait3A_70 = tpu.memref_slice %arg8[%dma_wait3A_69] : memref<3584xi32, #tpu.memory_space<vmem>> -> memref<512xi32, #tpu.memory_space<vmem>>
    %dma_wait3A_71 = arith.constant 0 : i32
    %dma_wait3A_72 = arith.constant 0 : i32
    %dma_wait3A_73 = tpu.memref_slice %arg3[%dma_wait3A_71, %dma_wait3A_72] : memref<1015808x64xf32, #tpu.memory_space<hbm>> -> memref<1015808x64xf32, #tpu.memory_space<hbm>>
    tpu.wait_indirect_dma semaphore(%arg11 : memref<!tpu.dma_semaphore, #tpu.memory_space<semaphore_mem>>) src(%dma_wait3A_73 : memref<1015808x64xf32, #tpu.memory_space<hbm>>) dst(%arg9 : memref<512x64xf32, #tpu.memory_space<vmem>>)
    %add3A_74 = arith.constant 32768 : i32
    %add3A_75 = arith.addi %add3A_74, %mul3A_2 : i32
    "tpu.region"() ({
      %run_scoped3A = tpu.sem_alloc : memref<!tpu.dma_semaphore, #tpu.memory_space<semaphore_mem>>
      %dma_start3A_95 = arith.constant 0 : i32
      %dma_start3A_96 = tpu.memref_slice %arg7[%add3A_75, %dma_start3A_95] : memref<81920x64xf32, #tpu.memory_space<hbm>> -> memref<512x64xf32, #tpu.memory_space<hbm>>
      %dma_start3A_97 = arith.constant 0 : i32
      %dma_start3A_98 = tpu.memref_slice %arg7[%add3A_75, %dma_start3A_97] : memref<81920x64xf32, #tpu.memory_space<hbm>> -> memref<512x64xf32, #tpu.memory_space<hbm>>
      tpu.enqueue_dma source(%arg9 : memref<512x64xf32, #tpu.memory_space<vmem>>) target(%dma_start3A_98 : memref<512x64xf32, #tpu.memory_space<hbm>>) target_semaphore(%run_scoped3A : memref<!tpu.dma_semaphore, #tpu.memory_space<semaphore_mem>>)
      %dma_wait3A_99 = arith.constant 0 : i32
      %dma_wait3A_100 = tpu.memref_slice %arg7[%add3A_75, %dma_wait3A_99] : memref<81920x64xf32, #tpu.memory_space<hbm>> -> memref<512x64xf32, #tpu.memory_space<hbm>>
      %dma_wait3A_101 = arith.constant 0 : i32
      %dma_wait3A_102 = tpu.memref_slice %arg7[%add3A_75, %dma_wait3A_101] : memref<81920x64xf32, #tpu.memory_space<hbm>> -> memref<512x64xf32, #tpu.memory_space<hbm>>
      tpu.wait_dma2 semaphore(%run_scoped3A : memref<!tpu.dma_semaphore, #tpu.memory_space<semaphore_mem>>) src(%arg9 : memref<512x64xf32, #tpu.memory_space<vmem>>) dst(%dma_wait3A_102 : memref<512x64xf32, #tpu.memory_space<hbm>>)
      tpu.yield
    }) : () -> ()
    %dma_start3A_76 = arith.constant 3072 : i32
    %dma_start3A_77 = tpu.memref_slice %arg8[%dma_start3A_76] : memref<3584xi32, #tpu.memory_space<vmem>> -> memref<512xi32, #tpu.memory_space<vmem>>
    %dma_start3A_78 = arith.constant 0 : i32
    %dma_start3A_79 = arith.constant 0 : i32
    %dma_start3A_80 = tpu.memref_slice %arg3[%dma_start3A_78, %dma_start3A_79] : memref<1015808x64xf32, #tpu.memory_space<hbm>> -> memref<1015808x64xf32, #tpu.memory_space<hbm>>
    tpu.enqueue_indirect_dma source(%dma_start3A_80 : memref<1015808x64xf32, #tpu.memory_space<hbm>>) target(%arg9 : memref<512x64xf32, #tpu.memory_space<vmem>>) offsets(%dma_start3A_77 : memref<512xi32, #tpu.memory_space<vmem>>) semaphore(%arg11 : memref<!tpu.dma_semaphore, #tpu.memory_space<semaphore_mem>>)
    %dma_wait3A_81 = arith.constant 2560 : i32
    %dma_wait3A_82 = tpu.memref_slice %arg8[%dma_wait3A_81] : memref<3584xi32, #tpu.memory_space<vmem>> -> memref<512xi32, #tpu.memory_space<vmem>>
    %dma_wait3A_83 = arith.constant 0 : i32
    %dma_wait3A_84 = arith.constant 0 : i32
    %dma_wait3A_85 = tpu.memref_slice %arg3[%dma_wait3A_83, %dma_wait3A_84] : memref<1015808x64xf32, #tpu.memory_space<hbm>> -> memref<1015808x64xf32, #tpu.memory_space<hbm>>
    tpu.wait_indirect_dma semaphore(%arg12 : memref<!tpu.dma_semaphore, #tpu.memory_space<semaphore_mem>>) src(%dma_wait3A_85 : memref<1015808x64xf32, #tpu.memory_space<hbm>>) dst(%arg10 : memref<512x64xf32, #tpu.memory_space<vmem>>)
    %add3A_86 = arith.constant 49152 : i32
    %add3A_87 = arith.addi %add3A_86, %mul3A_2 : i32
    "tpu.region"() ({
      %run_scoped3A = tpu.sem_alloc : memref<!tpu.dma_semaphore, #tpu.memory_space<semaphore_mem>>
      %dma_start3A_95 = arith.constant 0 : i32
      %dma_start3A_96 = tpu.memref_slice %arg7[%add3A_87, %dma_start3A_95] : memref<81920x64xf32, #tpu.memory_space<hbm>> -> memref<512x64xf32, #tpu.memory_space<hbm>>
      %dma_start3A_97 = arith.constant 0 : i32
      %dma_start3A_98 = tpu.memref_slice %arg7[%add3A_87, %dma_start3A_97] : memref<81920x64xf32, #tpu.memory_space<hbm>> -> memref<512x64xf32, #tpu.memory_space<hbm>>
      tpu.enqueue_dma source(%arg10 : memref<512x64xf32, #tpu.memory_space<vmem>>) target(%dma_start3A_98 : memref<512x64xf32, #tpu.memory_space<hbm>>) target_semaphore(%run_scoped3A : memref<!tpu.dma_semaphore, #tpu.memory_space<semaphore_mem>>)
      %dma_wait3A_99 = arith.constant 0 : i32
      %dma_wait3A_100 = tpu.memref_slice %arg7[%add3A_87, %dma_wait3A_99] : memref<81920x64xf32, #tpu.memory_space<hbm>> -> memref<512x64xf32, #tpu.memory_space<hbm>>
      %dma_wait3A_101 = arith.constant 0 : i32
      %dma_wait3A_102 = tpu.memref_slice %arg7[%add3A_87, %dma_wait3A_101] : memref<81920x64xf32, #tpu.memory_space<hbm>> -> memref<512x64xf32, #tpu.memory_space<hbm>>
      tpu.wait_dma2 semaphore(%run_scoped3A : memref<!tpu.dma_semaphore, #tpu.memory_space<semaphore_mem>>) src(%arg10 : memref<512x64xf32, #tpu.memory_space<vmem>>) dst(%dma_wait3A_102 : memref<512x64xf32, #tpu.memory_space<hbm>>)
      tpu.yield
    }) : () -> ()
    %dma_wait3A_88 = arith.constant 3072 : i32
    %dma_wait3A_89 = tpu.memref_slice %arg8[%dma_wait3A_88] : memref<3584xi32, #tpu.memory_space<vmem>> -> memref<512xi32, #tpu.memory_space<vmem>>
    %dma_wait3A_90 = arith.constant 0 : i32
    %dma_wait3A_91 = arith.constant 0 : i32
    %dma_wait3A_92 = tpu.memref_slice %arg3[%dma_wait3A_90, %dma_wait3A_91] : memref<1015808x64xf32, #tpu.memory_space<hbm>> -> memref<1015808x64xf32, #tpu.memory_space<hbm>>
    tpu.wait_indirect_dma semaphore(%arg11 : memref<!tpu.dma_semaphore, #tpu.memory_space<semaphore_mem>>) src(%dma_wait3A_92 : memref<1015808x64xf32, #tpu.memory_space<hbm>>) dst(%arg9 : memref<512x64xf32, #tpu.memory_space<vmem>>)
    %add3A_93 = arith.constant 65536 : i32
    %add3A_94 = arith.addi %add3A_93, %mul3A_2 : i32
    "tpu.region"() ({
      %run_scoped3A = tpu.sem_alloc : memref<!tpu.dma_semaphore, #tpu.memory_space<semaphore_mem>>
      %dma_start3A_95 = arith.constant 0 : i32
      %dma_start3A_96 = tpu.memref_slice %arg7[%add3A_94, %dma_start3A_95] : memref<81920x64xf32, #tpu.memory_space<hbm>> -> memref<512x64xf32, #tpu.memory_space<hbm>>
      %dma_start3A_97 = arith.constant 0 : i32
      %dma_start3A_98 = tpu.memref_slice %arg7[%add3A_94, %dma_start3A_97] : memref<81920x64xf32, #tpu.memory_space<hbm>> -> memref<512x64xf32, #tpu.memory_space<hbm>>
      tpu.enqueue_dma source(%arg9 : memref<512x64xf32, #tpu.memory_space<vmem>>) target(%dma_start3A_98 : memref<512x64xf32, #tpu.memory_space<hbm>>) target_semaphore(%run_scoped3A : memref<!tpu.dma_semaphore, #tpu.memory_space<semaphore_mem>>)
      %dma_wait3A_99 = arith.constant 0 : i32
      %dma_wait3A_100 = tpu.memref_slice %arg7[%add3A_94, %dma_wait3A_99] : memref<81920x64xf32, #tpu.memory_space<hbm>> -> memref<512x64xf32, #tpu.memory_space<hbm>>
      %dma_wait3A_101 = arith.constant 0 : i32
      %dma_wait3A_102 = tpu.memref_slice %arg7[%add3A_94, %dma_wait3A_101] : memref<81920x64xf32, #tpu.memory_space<hbm>> -> memref<512x64xf32, #tpu.memory_space<hbm>>
      tpu.wait_dma2 semaphore(%run_scoped3A : memref<!tpu.dma_semaphore, #tpu.memory_space<semaphore_mem>>) src(%arg9 : memref<512x64xf32, #tpu.memory_space<vmem>>) dst(%dma_wait3A_102 : memref<512x64xf32, #tpu.memory_space<hbm>>)
      tpu.yield
    }) : () -> ()
    return
  }
}

module attributes {stable_mosaic.version = 14 : i64} {
  func.func @_tc_transpose_body(%arg0: i32, %arg1: memref<64x32768xf32, #tpu.memory_space<vmem>>, %arg2: memref<64x128xbf16, #tpu.memory_space<vmem>>, %arg3: memref<64x128xbf16, #tpu.memory_space<vmem>>, %arg4: memref<16384x128xf32, #tpu.memory_space<vmem>>) attributes {dimension_semantics = [#tpu.dimension_semantics<arbitrary>], iteration_bounds = array<i64: 31>, scalar_prefetch = 0 : i64, scratch_operands = 0 : i64, tpu.core_type = #tpu.core_type<tc>, window_params = [{transform_indices = @transform_0, window_bounds = array<i64: 64, 32768>}, {pipeline_mode = #tpu.pipeline_mode<synchronous>, transform_indices = @transform_1, window_bounds = array<i64: 64, 128>}, {pipeline_mode = #tpu.pipeline_mode<synchronous>, transform_indices = @transform_2, window_bounds = array<i64: 64, 128>}, {transform_indices = @transform_3, window_bounds = array<i64: 16384, 128>}]} {
    %get3A = arith.constant 0 : index
    %get3A_0 = arith.constant 0 : index
    %get3A_1 = vector.load %arg1[%get3A, %get3A_0] : memref<64x32768xf32, #tpu.memory_space<vmem>>, vector<64x16384xf32>
    %convert_element_type3A = arith.truncf %get3A_1 : vector<64x16384xf32> to vector<64x16384xbf16>
    %get3A_2 = arith.constant 0 : index
    %get3A_3 = arith.constant 16384 : index
    %get3A_4 = vector.load %arg1[%get3A_2, %get3A_3] : memref<64x32768xf32, #tpu.memory_space<vmem>>, vector<64x16384xf32>
    %convert_element_type3A_5 = arith.truncf %get3A_4 : vector<64x16384xf32> to vector<64x16384xbf16>
    %get3A_6 = arith.constant 0 : index
    %get3A_7 = arith.constant 0 : index
    %get3A_8 = vector.load %arg2[%get3A_6, %get3A_7] : memref<64x128xbf16, #tpu.memory_space<vmem>>, vector<64x128xbf16>
    %dot_general3A = arith.constant dense<0.000000e+00> : vector<16384x128xf32>
    %dot_general3A_9 = tpu.matmul %convert_element_type3A, %get3A_8, %dot_general3A {dimension_numbers = #tpu.dot_dimension_numbers<[0], [0], [1], [1], [0, 1, 1, 1], [], []>, transpose_lhs_hint = false} : vector<64x16384xbf16>, vector<64x128xbf16>, vector<16384x128xf32> -> vector<16384x128xf32>
    %get3A_10 = arith.constant 0 : index
    %get3A_11 = arith.constant 0 : index
    %get3A_12 = vector.load %arg3[%get3A_10, %get3A_11] : memref<64x128xbf16, #tpu.memory_space<vmem>>, vector<64x128xbf16>
    %dot_general3A_13 = arith.constant dense<0.000000e+00> : vector<16384x128xf32>
    %dot_general3A_14 = tpu.matmul %convert_element_type3A_5, %get3A_12, %dot_general3A_13 {dimension_numbers = #tpu.dot_dimension_numbers<[0], [0], [1], [1], [0, 1, 1, 1], [], []>, transpose_lhs_hint = false} : vector<64x16384xbf16>, vector<64x128xbf16>, vector<16384x128xf32> -> vector<16384x128xf32>
    %add3A = arith.addf %dot_general3A_9, %dot_general3A_14 : vector<16384x128xf32>
    %swap3A = arith.constant 0 : index
    %swap3A_15 = arith.constant 0 : index
    %swap3A_16 = vector.load %arg4[%swap3A, %swap3A_15] : memref<16384x128xf32, #tpu.memory_space<vmem>>, vector<16384x128xf32>
    tpu.vector_store %arg4[%swap3A, %swap3A_15], %add3A {strides = array<i32>} : memref<16384x128xf32, #tpu.memory_space<vmem>>, vector<16384x128xf32>,
    return
  }
  func.func @transform_0(%arg0: i32) -> (i32, i32) {
    %c0_i32 = arith.constant 0 : i32
    %c0_i32_0 = arith.constant 0 : i32
    return %c0_i32, %arg0 : i32, i32
  }
  func.func @transform_1(%arg0: i32) -> (i32, i32) {
    %c0_i32 = arith.constant 0 : i32
    %c0_i32_0 = arith.constant 0 : i32
    %c0_i32_1 = arith.constant 0 : i32
    return %c0_i32, %c0_i32_0 : i32, i32
  }
  func.func @transform_2(%arg0: i32) -> (i32, i32) {
    %c0_i32 = arith.constant 0 : i32
    %c0_i32_0 = arith.constant 0 : i32
    %c0_i32_1 = arith.constant 0 : i32
    return %c0_i32, %c0_i32_0 : i32, i32
  }
  func.func @transform_3(%arg0: i32) -> (i32, i32) {
    %c0_i32 = arith.constant 0 : i32
    %c0_i32_0 = arith.constant 0 : i32
    return %arg0, %c0_i32 : i32, i32
  }
}

module attributes {stable_mosaic.version = 14 : i64} {
  func.func @_tc_loss_body(%arg0: i32, %arg1: memref<1024x128xf32, #tpu.memory_space<vmem>>, %arg2: memref<1024x128xf32, #tpu.memory_space<vmem>>, %arg3: memref<5x1024x128xf32, #tpu.memory_space<vmem>>, %arg4: memref<8x2048xf32, #tpu.memory_space<vmem>>) attributes {dimension_semantics = [#tpu.dimension_semantics<arbitrary>], iteration_bounds = array<i64: 8>, scalar_prefetch = 0 : i64, scratch_operands = 0 : i64, tpu.core_type = #tpu.core_type<tc>, window_params = [{transform_indices = @transform_0, window_bounds = array<i64: 1024, 128>}, {transform_indices = @transform_1, window_bounds = array<i64: 1024, 128>}, {transform_indices = @transform_2, window_bounds = array<i64: 5, 1024, 128>}, {transform_indices = @transform_3, window_bounds = array<i64: 8, 2048>}]} {
    %get3A = arith.constant 0 : index
    %get3A_0 = arith.constant 0 : index
    %get3A_1 = vector.load %arg1[%get3A, %get3A_0] : memref<1024x128xf32, #tpu.memory_space<vmem>>, vector<1024x128xf32>
    %get3A_2 = arith.constant 0 : index
    %get3A_3 = arith.constant 0 : index
    %get3A_4 = vector.load %arg2[%get3A_2, %get3A_3] : memref<1024x128xf32, #tpu.memory_space<vmem>>, vector<1024x128xf32>
    %mul3A = arith.mulf %get3A_1, %get3A_4 : vector<1024x128xf32>
    %slice3A = vector.extract_strided_slice %mul3A {offsets = [0, 0], sizes = [1024, 64], strides = [1, 1]} : vector<1024x128xf32> to vector<1024x64xf32>
    %reduce_sum3A = arith.constant dense<0.000000e+00> : vector<1024xf32>
    %reduce_sum3A_5 = vector.multi_reduction <add>, %slice3A, %reduce_sum3A [1] : vector<1024x64xf32> to vector<1024xf32>
    %slice3A_6 = vector.extract_strided_slice %mul3A {offsets = [0, 64], sizes = [1024, 64], strides = [1, 1]} : vector<1024x128xf32> to vector<1024x64xf32>
    %reduce_sum3A_7 = arith.constant dense<0.000000e+00> : vector<1024xf32>
    %reduce_sum3A_8 = vector.multi_reduction <add>, %slice3A_6, %reduce_sum3A_7 [1] : vector<1024x64xf32> to vector<1024xf32>
    %concatenate3A = tpu.concatenate %reduce_sum3A_5, %reduce_sum3A_8 in 0 : vector<1024xf32>, vector<1024xf32> -> vector<2048xf32>
    %neg3A = arith.constant 0.000000e+00 : f32
    %neg3A_9 = vector.broadcast %neg3A : f32 to vector<2048xf32>
    %neg3A_10 = arith.subf %neg3A_9, %concatenate3A : vector<2048xf32>
    %custom_jvp_call3A = arith.constant 0.000000e+00 : f32
    %max3A = vector.broadcast %custom_jvp_call3A : f32 to vector<2048xf32>
    %max3A_11 = arith.maximumf %neg3A_10, %max3A : vector<2048xf32>
    %sub3A = vector.broadcast %custom_jvp_call3A : f32 to vector<2048xf32>
    %sub3A_12 = arith.subf %neg3A_10, %sub3A : vector<2048xf32>
    %ne3A = arith.cmpf one, %sub3A_12, %sub3A_12 : vector<2048xf32>
    %add3A = vector.broadcast %custom_jvp_call3A : f32 to vector<2048xf32>
    %add3A_13 = arith.addf %neg3A_10, %add3A : vector<2048xf32>
    %abs3A = math.absf %sub3A_12 : vector<2048xf32>
    %neg3A_14 = arith.constant 0.000000e+00 : f32
    %neg3A_15 = vector.broadcast %neg3A_14 : f32 to vector<2048xf32>
    %neg3A_16 = arith.subf %neg3A_15, %abs3A : vector<2048xf32>
    %exp3A = math.exp %neg3A_16 : vector<2048xf32>
    %log1p3A = math.log1p %exp3A : vector<2048xf32>
    %add3A_17 = arith.addf %max3A_11, %log1p3A : vector<2048xf32>
    %select_n3A = arith.select %ne3A, %add3A_13, %add3A_17 : vector<2048xi1>, vector<2048xf32>
    %swap3A = arith.constant 0 : index
    %swap3A_18 = arith.constant 0 : index
    %swap3A_19 = vector.load %arg4[%swap3A, %swap3A_18] : memref<8x2048xf32, #tpu.memory_space<vmem>>, vector<1x2048xf32>
    %swap3A_20 = vector.shape_cast %swap3A_19 : vector<1x2048xf32> to vector<2048xf32>
    %swap3A_21 = vector.shape_cast %select_n3A : vector<2048xf32> to vector<1x2048xf32>
    tpu.vector_store %arg4[%swap3A, %swap3A_18], %swap3A_21 {strides = array<i32>} : memref<8x2048xf32, #tpu.memory_space<vmem>>, vector<1x2048xf32>,
    %get3A_22 = arith.constant 0 : index
    %get3A_23 = arith.constant 0 : index
    %get3A_24 = arith.constant 0 : index
    %get3A_25 = vector.load %arg3[%get3A_22, %get3A_23, %get3A_24] : memref<5x1024x128xf32, #tpu.memory_space<vmem>>, vector<1x1024x128xf32>
    %get3A_26 = vector.shape_cast %get3A_25 : vector<1x1024x128xf32> to vector<1024x128xf32>
    %mul3A_27 = arith.mulf %get3A_1, %get3A_26 : vector<1024x128xf32>
    %slice3A_28 = vector.extract_strided_slice %mul3A_27 {offsets = [0, 0], sizes = [1024, 64], strides = [1, 1]} : vector<1024x128xf32> to vector<1024x64xf32>
    %reduce_sum3A_29 = arith.constant dense<0.000000e+00> : vector<1024xf32>
    %reduce_sum3A_30 = vector.multi_reduction <add>, %slice3A_28, %reduce_sum3A_29 [1] : vector<1024x64xf32> to vector<1024xf32>
    %slice3A_31 = vector.extract_strided_slice %mul3A_27 {offsets = [0, 64], sizes = [1024, 64], strides = [1, 1]} : vector<1024x128xf32> to vector<1024x64xf32>
    %reduce_sum3A_32 = arith.constant dense<0.000000e+00> : vector<1024xf32>
    %reduce_sum3A_33 = vector.multi_reduction <add>, %slice3A_31, %reduce_sum3A_32 [1] : vector<1024x64xf32> to vector<1024xf32>
    %concatenate3A_34 = tpu.concatenate %reduce_sum3A_30, %reduce_sum3A_33 in 0 : vector<1024xf32>, vector<1024xf32> -> vector<2048xf32>
    %custom_jvp_call3A_35 = arith.constant 0.000000e+00 : f32
    %max3A_36 = vector.broadcast %custom_jvp_call3A_35 : f32 to vector<2048xf32>
    %max3A_37 = arith.maximumf %concatenate3A_34, %max3A_36 : vector<2048xf32>
    %sub3A_38 = vector.broadcast %custom_jvp_call3A_35 : f32 to vector<2048xf32>
    %sub3A_39 = arith.subf %concatenate3A_34, %sub3A_38 : vector<2048xf32>
    %ne3A_40 = arith.cmpf one, %sub3A_39, %sub3A_39 : vector<2048xf32>
    %add3A_41 = vector.broadcast %custom_jvp_call3A_35 : f32 to vector<2048xf32>
    %add3A_42 = arith.addf %concatenate3A_34, %add3A_41 : vector<2048xf32>
    %abs3A_43 = math.absf %sub3A_39 : vector<2048xf32>
    %neg3A_44 = arith.constant 0.000000e+00 : f32
    %neg3A_45 = vector.broadcast %neg3A_44 : f32 to vector<2048xf32>
    %neg3A_46 = arith.subf %neg3A_45, %abs3A_43 : vector<2048xf32>
    %exp3A_47 = math.exp %neg3A_46 : vector<2048xf32>
    %log1p3A_48 = math.log1p %exp3A_47 : vector<2048xf32>
    %add3A_49 = arith.addf %max3A_37, %log1p3A_48 : vector<2048xf32>
    %select_n3A_50 = arith.select %ne3A_40, %add3A_42, %add3A_49 : vector<2048xi1>, vector<2048xf32>
    %swap3A_51 = arith.constant 1 : index
    %swap3A_52 = arith.constant 0 : index
    %swap3A_53 = vector.load %arg4[%swap3A_51, %swap3A_52] : memref<8x2048xf32, #tpu.memory_space<vmem>>, vector<1x2048xf32>
    %swap3A_54 = vector.shape_cast %swap3A_53 : vector<1x2048xf32> to vector<2048xf32>
    %swap3A_55 = vector.shape_cast %select_n3A_50 : vector<2048xf32> to vector<1x2048xf32>
    tpu.vector_store %arg4[%swap3A_51, %swap3A_52], %swap3A_55 {strides = array<i32>} : memref<8x2048xf32, #tpu.memory_space<vmem>>, vector<1x2048xf32>,
    %get3A_56 = arith.constant 1 : index
    %get3A_57 = arith.constant 0 : index
    %get3A_58 = arith.constant 0 : index
    %get3A_59 = vector.load %arg3[%get3A_56, %get3A_57, %get3A_58] : memref<5x1024x128xf32, #tpu.memory_space<vmem>>, vector<1x1024x128xf32>
    %get3A_60 = vector.shape_cast %get3A_59 : vector<1x1024x128xf32> to vector<1024x128xf32>
    %mul3A_61 = arith.mulf %get3A_1, %get3A_60 : vector<1024x128xf32>
    %slice3A_62 = vector.extract_strided_slice %mul3A_61 {offsets = [0, 0], sizes = [1024, 64], strides = [1, 1]} : vector<1024x128xf32> to vector<1024x64xf32>
    %reduce_sum3A_63 = arith.constant dense<0.000000e+00> : vector<1024xf32>
    %reduce_sum3A_64 = vector.multi_reduction <add>, %slice3A_62, %reduce_sum3A_63 [1] : vector<1024x64xf32> to vector<1024xf32>
    %slice3A_65 = vector.extract_strided_slice %mul3A_61 {offsets = [0, 64], sizes = [1024, 64], strides = [1, 1]} : vector<1024x128xf32> to vector<1024x64xf32>
    %reduce_sum3A_66 = arith.constant dense<0.000000e+00> : vector<1024xf32>
    %reduce_sum3A_67 = vector.multi_reduction <add>, %slice3A_65, %reduce_sum3A_66 [1] : vector<1024x64xf32> to vector<1024xf32>
    %concatenate3A_68 = tpu.concatenate %reduce_sum3A_64, %reduce_sum3A_67 in 0 : vector<1024xf32>, vector<1024xf32> -> vector<2048xf32>
    %custom_jvp_call3A_69 = arith.constant 0.000000e+00 : f32
    %max3A_70 = vector.broadcast %custom_jvp_call3A_69 : f32 to vector<2048xf32>
    %max3A_71 = arith.maximumf %concatenate3A_68, %max3A_70 : vector<2048xf32>
    %sub3A_72 = vector.broadcast %custom_jvp_call3A_69 : f32 to vector<2048xf32>
    %sub3A_73 = arith.subf %concatenate3A_68, %sub3A_72 : vector<2048xf32>
    %ne3A_74 = arith.cmpf one, %sub3A_73, %sub3A_73 : vector<2048xf32>
    %add3A_75 = vector.broadcast %custom_jvp_call3A_69 : f32 to vector<2048xf32>
    %add3A_76 = arith.addf %concatenate3A_68, %add3A_75 : vector<2048xf32>
    %abs3A_77 = math.absf %sub3A_73 : vector<2048xf32>
    %neg3A_78 = arith.constant 0.000000e+00 : f32
    %neg3A_79 = vector.broadcast %neg3A_78 : f32 to vector<2048xf32>
    %neg3A_80 = arith.subf %neg3A_79, %abs3A_77 : vector<2048xf32>
    %exp3A_81 = math.exp %neg3A_80 : vector<2048xf32>
    %log1p3A_82 = math.log1p %exp3A_81 : vector<2048xf32>
    %add3A_83 = arith.addf %max3A_71, %log1p3A_82 : vector<2048xf32>
    %select_n3A_84 = arith.select %ne3A_74, %add3A_76, %add3A_83 : vector<2048xi1>, vector<2048xf32>
    %swap3A_85 = arith.constant 2 : index
    %swap3A_86 = arith.constant 0 : index
    %swap3A_87 = vector.load %arg4[%swap3A_85, %swap3A_86] : memref<8x2048xf32, #tpu.memory_space<vmem>>, vector<1x2048xf32>
    %swap3A_88 = vector.shape_cast %swap3A_87 : vector<1x2048xf32> to vector<2048xf32>
    %swap3A_89 = vector.shape_cast %select_n3A_84 : vector<2048xf32> to vector<1x2048xf32>
    tpu.vector_store %arg4[%swap3A_85, %swap3A_86], %swap3A_89 {strides = array<i32>} : memref<8x2048xf32, #tpu.memory_space<vmem>>, vector<1x2048xf32>,
    %get3A_90 = arith.constant 2 : index
    %get3A_91 = arith.constant 0 : index
    %get3A_92 = arith.constant 0 : index
    %get3A_93 = vector.load %arg3[%get3A_90, %get3A_91, %get3A_92] : memref<5x1024x128xf32, #tpu.memory_space<vmem>>, vector<1x1024x128xf32>
    %get3A_94 = vector.shape_cast %get3A_93 : vector<1x1024x128xf32> to vector<1024x128xf32>
    %mul3A_95 = arith.mulf %get3A_1, %get3A_94 : vector<1024x128xf32>
    %slice3A_96 = vector.extract_strided_slice %mul3A_95 {offsets = [0, 0], sizes = [1024, 64], strides = [1, 1]} : vector<1024x128xf32> to vector<1024x64xf32>
    %reduce_sum3A_97 = arith.constant dense<0.000000e+00> : vector<1024xf32>
    %reduce_sum3A_98 = vector.multi_reduction <add>, %slice3A_96, %reduce_sum3A_97 [1] : vector<1024x64xf32> to vector<1024xf32>
    %slice3A_99 = vector.extract_strided_slice %mul3A_95 {offsets = [0, 64], sizes = [1024, 64], strides = [1, 1]} : vector<1024x128xf32> to vector<1024x64xf32>
    %reduce_sum3A_100 = arith.constant dense<0.000000e+00> : vector<1024xf32>
    %reduce_sum3A_101 = vector.multi_reduction <add>, %slice3A_99, %reduce_sum3A_100 [1] : vector<1024x64xf32> to vector<1024xf32>
    %concatenate3A_102 = tpu.concatenate %reduce_sum3A_98, %reduce_sum3A_101 in 0 : vector<1024xf32>, vector<1024xf32> -> vector<2048xf32>
    %custom_jvp_call3A_103 = arith.constant 0.000000e+00 : f32
    %max3A_104 = vector.broadcast %custom_jvp_call3A_103 : f32 to vector<2048xf32>
    %max3A_105 = arith.maximumf %concatenate3A_102, %max3A_104 : vector<2048xf32>
    %sub3A_106 = vector.broadcast %custom_jvp_call3A_103 : f32 to vector<2048xf32>
    %sub3A_107 = arith.subf %concatenate3A_102, %sub3A_106 : vector<2048xf32>
    %ne3A_108 = arith.cmpf one, %sub3A_107, %sub3A_107 : vector<2048xf32>
    %add3A_109 = vector.broadcast %custom_jvp_call3A_103 : f32 to vector<2048xf32>
    %add3A_110 = arith.addf %concatenate3A_102, %add3A_109 : vector<2048xf32>
    %abs3A_111 = math.absf %sub3A_107 : vector<2048xf32>
    %neg3A_112 = arith.constant 0.000000e+00 : f32
    %neg3A_113 = vector.broadcast %neg3A_112 : f32 to vector<2048xf32>
    %neg3A_114 = arith.subf %neg3A_113, %abs3A_111 : vector<2048xf32>
    %exp3A_115 = math.exp %neg3A_114 : vector<2048xf32>
    %log1p3A_116 = math.log1p %exp3A_115 : vector<2048xf32>
    %add3A_117 = arith.addf %max3A_105, %log1p3A_116 : vector<2048xf32>
    %select_n3A_118 = arith.select %ne3A_108, %add3A_110, %add3A_117 : vector<2048xi1>, vector<2048xf32>
    %swap3A_119 = arith.constant 3 : index
    %swap3A_120 = arith.constant 0 : index
    %swap3A_121 = vector.load %arg4[%swap3A_119, %swap3A_120] : memref<8x2048xf32, #tpu.memory_space<vmem>>, vector<1x2048xf32>
    %swap3A_122 = vector.shape_cast %swap3A_121 : vector<1x2048xf32> to vector<2048xf32>
    %swap3A_123 = vector.shape_cast %select_n3A_118 : vector<2048xf32> to vector<1x2048xf32>
    tpu.vector_store %arg4[%swap3A_119, %swap3A_120], %swap3A_123 {strides = array<i32>} : memref<8x2048xf32, #tpu.memory_space<vmem>>, vector<1x2048xf32>,
    %get3A_124 = arith.constant 3 : index
    %get3A_125 = arith.constant 0 : index
    %get3A_126 = arith.constant 0 : index
    %get3A_127 = vector.load %arg3[%get3A_124, %get3A_125, %get3A_126] : memref<5x1024x128xf32, #tpu.memory_space<vmem>>, vector<1x1024x128xf32>
    %get3A_128 = vector.shape_cast %get3A_127 : vector<1x1024x128xf32> to vector<1024x128xf32>
    %mul3A_129 = arith.mulf %get3A_1, %get3A_128 : vector<1024x128xf32>
    %slice3A_130 = vector.extract_strided_slice %mul3A_129 {offsets = [0, 0], sizes = [1024, 64], strides = [1, 1]} : vector<1024x128xf32> to vector<1024x64xf32>
    %reduce_sum3A_131 = arith.constant dense<0.000000e+00> : vector<1024xf32>
    %reduce_sum3A_132 = vector.multi_reduction <add>, %slice3A_130, %reduce_sum3A_131 [1] : vector<1024x64xf32> to vector<1024xf32>
    %slice3A_133 = vector.extract_strided_slice %mul3A_129 {offsets = [0, 64], sizes = [1024, 64], strides = [1, 1]} : vector<1024x128xf32> to vector<1024x64xf32>
    %reduce_sum3A_134 = arith.constant dense<0.000000e+00> : vector<1024xf32>
    %reduce_sum3A_135 = vector.multi_reduction <add>, %slice3A_133, %reduce_sum3A_134 [1] : vector<1024x64xf32> to vector<1024xf32>
    %concatenate3A_136 = tpu.concatenate %reduce_sum3A_132, %reduce_sum3A_135 in 0 : vector<1024xf32>, vector<1024xf32> -> vector<2048xf32>
    %custom_jvp_call3A_137 = arith.constant 0.000000e+00 : f32
    %max3A_138 = vector.broadcast %custom_jvp_call3A_137 : f32 to vector<2048xf32>
    %max3A_139 = arith.maximumf %concatenate3A_136, %max3A_138 : vector<2048xf32>
    %sub3A_140 = vector.broadcast %custom_jvp_call3A_137 : f32 to vector<2048xf32>
    %sub3A_141 = arith.subf %concatenate3A_136, %sub3A_140 : vector<2048xf32>
    %ne3A_142 = arith.cmpf one, %sub3A_141, %sub3A_141 : vector<2048xf32>
    %add3A_143 = vector.broadcast %custom_jvp_call3A_137 : f32 to vector<2048xf32>
    %add3A_144 = arith.addf %concatenate3A_136, %add3A_143 : vector<2048xf32>
    %abs3A_145 = math.absf %sub3A_141 : vector<2048xf32>
    %neg3A_146 = arith.constant 0.000000e+00 : f32
    %neg3A_147 = vector.broadcast %neg3A_146 : f32 to vector<2048xf32>
    %neg3A_148 = arith.subf %neg3A_147, %abs3A_145 : vector<2048xf32>
    %exp3A_149 = math.exp %neg3A_148 : vector<2048xf32>
    %log1p3A_150 = math.log1p %exp3A_149 : vector<2048xf32>
    %add3A_151 = arith.addf %max3A_139, %log1p3A_150 : vector<2048xf32>
    %select_n3A_152 = arith.select %ne3A_142, %add3A_144, %add3A_151 : vector<2048xi1>, vector<2048xf32>
    %swap3A_153 = arith.constant 4 : index
    %swap3A_154 = arith.constant 0 : index
    %swap3A_155 = vector.load %arg4[%swap3A_153, %swap3A_154] : memref<8x2048xf32, #tpu.memory_space<vmem>>, vector<1x2048xf32>
    %swap3A_156 = vector.shape_cast %swap3A_155 : vector<1x2048xf32> to vector<2048xf32>
    %swap3A_157 = vector.shape_cast %select_n3A_152 : vector<2048xf32> to vector<1x2048xf32>
    tpu.vector_store %arg4[%swap3A_153, %swap3A_154], %swap3A_157 {strides = array<i32>} : memref<8x2048xf32, #tpu.memory_space<vmem>>, vector<1x2048xf32>,
    %get3A_158 = arith.constant 4 : index
    %get3A_159 = arith.constant 0 : index
    %get3A_160 = arith.constant 0 : index
    %get3A_161 = vector.load %arg3[%get3A_158, %get3A_159, %get3A_160] : memref<5x1024x128xf32, #tpu.memory_space<vmem>>, vector<1x1024x128xf32>
    %get3A_162 = vector.shape_cast %get3A_161 : vector<1x1024x128xf32> to vector<1024x128xf32>
    %mul3A_163 = arith.mulf %get3A_1, %get3A_162 : vector<1024x128xf32>
    %slice3A_164 = vector.extract_strided_slice %mul3A_163 {offsets = [0, 0], sizes = [1024, 64], strides = [1, 1]} : vector<1024x128xf32> to vector<1024x64xf32>
    %reduce_sum3A_165 = arith.constant dense<0.000000e+00> : vector<1024xf32>
    %reduce_sum3A_166 = vector.multi_reduction <add>, %slice3A_164, %reduce_sum3A_165 [1] : vector<1024x64xf32> to vector<1024xf32>
    %slice3A_167 = vector.extract_strided_slice %mul3A_163 {offsets = [0, 64], sizes = [1024, 64], strides = [1, 1]} : vector<1024x128xf32> to vector<1024x64xf32>
    %reduce_sum3A_168 = arith.constant dense<0.000000e+00> : vector<1024xf32>
    %reduce_sum3A_169 = vector.multi_reduction <add>, %slice3A_167, %reduce_sum3A_168 [1] : vector<1024x64xf32> to vector<1024xf32>
    %concatenate3A_170 = tpu.concatenate %reduce_sum3A_166, %reduce_sum3A_169 in 0 : vector<1024xf32>, vector<1024xf32> -> vector<2048xf32>
    %custom_jvp_call3A_171 = arith.constant 0.000000e+00 : f32
    %max3A_172 = vector.broadcast %custom_jvp_call3A_171 : f32 to vector<2048xf32>
    %max3A_173 = arith.maximumf %concatenate3A_170, %max3A_172 : vector<2048xf32>
    %sub3A_174 = vector.broadcast %custom_jvp_call3A_171 : f32 to vector<2048xf32>
    %sub3A_175 = arith.subf %concatenate3A_170, %sub3A_174 : vector<2048xf32>
    %ne3A_176 = arith.cmpf one, %sub3A_175, %sub3A_175 : vector<2048xf32>
    %add3A_177 = vector.broadcast %custom_jvp_call3A_171 : f32 to vector<2048xf32>
    %add3A_178 = arith.addf %concatenate3A_170, %add3A_177 : vector<2048xf32>
    %abs3A_179 = math.absf %sub3A_175 : vector<2048xf32>
    %neg3A_180 = arith.constant 0.000000e+00 : f32
    %neg3A_181 = vector.broadcast %neg3A_180 : f32 to vector<2048xf32>
    %neg3A_182 = arith.subf %neg3A_181, %abs3A_179 : vector<2048xf32>
    %exp3A_183 = math.exp %neg3A_182 : vector<2048xf32>
    %log1p3A_184 = math.log1p %exp3A_183 : vector<2048xf32>
    %add3A_185 = arith.addf %max3A_173, %log1p3A_184 : vector<2048xf32>
    %select_n3A_186 = arith.select %ne3A_176, %add3A_178, %add3A_185 : vector<2048xi1>, vector<2048xf32>
    %swap3A_187 = arith.constant 5 : index
    %swap3A_188 = arith.constant 0 : index
    %swap3A_189 = vector.load %arg4[%swap3A_187, %swap3A_188] : memref<8x2048xf32, #tpu.memory_space<vmem>>, vector<1x2048xf32>
    %swap3A_190 = vector.shape_cast %swap3A_189 : vector<1x2048xf32> to vector<2048xf32>
    %swap3A_191 = vector.shape_cast %select_n3A_186 : vector<2048xf32> to vector<1x2048xf32>
    tpu.vector_store %arg4[%swap3A_187, %swap3A_188], %swap3A_191 {strides = array<i32>} : memref<8x2048xf32, #tpu.memory_space<vmem>>, vector<1x2048xf32>,
    %broadcast_in_dim3A = arith.constant 0.000000e+00 : f32
    %broadcast_in_dim3A_192 = vector.broadcast %broadcast_in_dim3A : f32 to vector<2048xf32>
    %swap3A_193 = arith.constant 6 : index
    %swap3A_194 = arith.constant 0 : index
    %swap3A_195 = vector.load %arg4[%swap3A_193, %swap3A_194] : memref<8x2048xf32, #tpu.memory_space<vmem>>, vector<1x2048xf32>
    %swap3A_196 = vector.shape_cast %swap3A_195 : vector<1x2048xf32> to vector<2048xf32>
    %swap3A_197 = vector.shape_cast %broadcast_in_dim3A_192 : vector<2048xf32> to vector<1x2048xf32>
    tpu.vector_store %arg4[%swap3A_193, %swap3A_194], %swap3A_197 {strides = array<i32>} : memref<8x2048xf32, #tpu.memory_space<vmem>>, vector<1x2048xf32>,
    %broadcast_in_dim3A_198 = arith.constant 0.000000e+00 : f32
    %broadcast_in_dim3A_199 = vector.broadcast %broadcast_in_dim3A_198 : f32 to vector<2048xf32>
    %swap3A_200 = arith.constant 7 : index
    %swap3A_201 = arith.constant 0 : index
    %swap3A_202 = vector.load %arg4[%swap3A_200, %swap3A_201] : memref<8x2048xf32, #tpu.memory_space<vmem>>, vector<1x2048xf32>
    %swap3A_203 = vector.shape_cast %swap3A_202 : vector<1x2048xf32> to vector<2048xf32>
    %swap3A_204 = vector.shape_cast %broadcast_in_dim3A_199 : vector<2048xf32> to vector<1x2048xf32>
    tpu.vector_store %arg4[%swap3A_200, %swap3A_201], %swap3A_204 {strides = array<i32>} : memref<8x2048xf32, #tpu.memory_space<vmem>>, vector<1x2048xf32>,
    return
  }
  func.func @transform_0(%arg0: i32) -> (i32, i32) {
    %c0_i32 = arith.constant 0 : i32
    %c0_i32_0 = arith.constant 0 : i32
    return %arg0, %c0_i32 : i32, i32
  }
  func.func @transform_1(%arg0: i32) -> (i32, i32) {
    %c0_i32 = arith.constant 0 : i32
    %c0_i32_0 = arith.constant 0 : i32
    return %arg0, %c0_i32 : i32, i32
  }
  func.func @transform_2(%arg0: i32) -> (i32, i32, i32) {
    %c0_i32 = arith.constant 0 : i32
    %c0_i32_0 = arith.constant 0 : i32
    %c0_i32_1 = arith.constant 0 : i32
    return %c0_i32, %arg0, %c0_i32_0 : i32, i32, i32
  }
  func.func @transform_3(%arg0: i32) -> (i32, i32) {
    %c0_i32 = arith.constant 0 : i32
    %c0_i32_0 = arith.constant 0 : i32
    return %c0_i32, %arg0 : i32, i32
  }
}

</mosaic_0001>

<sc_bundles>
// kernel: kernel.6.cloned.1.call-start
scs
__scs_entry_jumppad:
0x0: {  	(pc) =	sbr.rel $0x88, $3  }
0x1: {  	(tag) =	ssettag $0x0;
	lr =	simm.s32 $0x1  }
0x2: {  	[smem:$0x3F9C] =	sst lr;
	_ =	strace $0xD0000000  }
0x3: {  	_ = 	snop  }
0x4: {  	_ = 	snop  }
0x5: {  	_ = 	snop  }
0x6: {  	_ = 	snop  }
0x7: {  	_ = 	snop  }
__scs_overlays_trampoline_lowered:
0x8: {  	[smem:$0x3FAB] =	sst s0  }
0x9: {  	[smem:$0x3FAC] =	sst s1  }
0xa: {  	[smem:$0x3FAD] =	sst s2  }
0xb: {  	[smem:$0x3FAE] =	sst s3  }
0xc: {  	[smem:$0x3FAF] =	sst s4  }
0xd: {  	[smem:$0x3FB0] =	sst s5  }
0xe: {  	[smem:$0x3FB1] =	sst s6  }
0xf: {  	[smem:$0x3FB2] =	sst s7  }
0x10: {  	[smem:$0x3FB3] =	sst s8  }
0x11: {  	[smem:$0x3FB4] =	sst s9;
	s0 =	simm.s32 @!p0 $0x0  }
0x12: {  	s1 =	sld [smem:$0x3F9A];
	s0 =	simm.s32 @p0 $0x1  }
0x13: {  	[smem:$0x3FB5] =	sst s0;
	s0 =	simm.s32 @!p1 $0x0  }
0x14: {  	s2 =	sld [smem:$0x3F99];
	s0 =	simm.s32 @p1 $0x1  }
0x15: {  	[smem:$0x3FB6] =	sst s0;
	s0 =	simm.s32 @!p2 $0x0  }
0x16: {  	s3 =	sld [smem:$0x3FDB];
	s0 =	simm.s32 @p2 $0x1  }
0x17: {  	s4 =	simm.s32 $0x1BF5;
	[smem:$0x3FB8] =	sst s0  }
0x18: {  	s0 =	sld [smem:$0x3F9B];
	_ =	swait.ge [sflag:s4], $0x0  }
0x19: {  	s7 =	sld [smem:$0x3F9C]  }
0x1a: {  	s8 =	sadd.s32 $0xFFFFE003, lr  }
0x1b: {  	s9 =	sadd.s32 $0xFFFFFEF7, lr;
	s5 =	simm.s32 $0xFFFFFFFF;
	p2 =	slt.u32 s8, $0xFFFFF086  }
0x1c: {  	p1 =	slt.u32 s9, $0xF7A;
	s5 =	simm.s32 @!p2 $0x0  }
0x1d: {  	s5 =	simm.s32 @p1 $0x1;
	p0 =	seq.s32 s7, s2  }
0x1e: {  	s7 =	smul.u32 @!p0 $0xF7A, s2;
	p2 =	seq.s32 @!p0 s5, $0x0  }
0x1f: {  	s9 =	smul.u32 $0xF7A, s1;
	s8 =	simm.s32 @!p0 $0x1BF5;
	p2 =	por !p2, p0  }
0x20: {  	[sflag:s8] =	ssyncset.s32 @!p0 $0xFFFFF086;
	s6 =	sadd.s32 @!p0 s3, s7;
	s7 =	simm.s32 @!p0 $0x108  }
0x21: {  	s3 =	sadd.s32 s3, s9;
	s6 =	sadd.s32 @!p0 $0x88, s6;
	s7 =	simm.s32 @p2 $0x1082  }
0x22: {  	[simem:s7], [sflag:s8] =	dma.local @!p0 [hbm:s6], $0xF7A  }
0x23: {  	s9 =	sor.u32 $0xD0000000, s2;
	s6 =	simm.s32 $0x108;
	_ =	swait.ge @!p0 [sflag:s8], $0x0  }
0x24: {  	s3 =	sadd.s32 $0x88, s3;
	s6 =	simm.s32 @!p1 $0x1082;
	[sflag:s4] =	ssyncset.s32 $0xFFFFF086  }
0x25: {  	[simem:s6], [sflag:s4] =	dma.local [hbm:s3], $0xF7A  }
0x26: {  	[smem:$0x3F9C] =	sst s1;
	(tag) =	ssettag s2;
	_ =	strace s9  }
0x27: {  	s1 =	sld [smem:$0x3FAC]  }
0x28: {  	s2 =	sld [smem:$0x3FAD]  }
0x29: {  	s4 =	sld [smem:$0x3FAF]  }
0x2a: {  	p0 =	seq.s32 s5, $0x0;
	s5 =	sld [smem:$0x3FB0]  }
0x2b: {  	s6 =	sld [smem:$0x3FB1]  }
0x2c: {  	s7 =	sld [smem:$0x3FB2]  }
0x2d: {  	s3 =	simm.s32 $0x108;
	s8 =	sld [smem:$0x3FB3]  }
0x2e: {  	s3 =	simm.s32 @!p0 $0x1082;
	s9 =	sld [smem:$0x3FB4]  }
0x2f: {  	lr =	sadd.s32 s0, s3;
	s0 =	sld [smem:$0x3FAB]  }
0x30: {  	s3 =	sld [smem:$0x3FAE]  }
0x31: {  	[smem:$0x3FB7] =	sst s10  }
0x32: {  	s10 =	sld [smem:$0x3FB5];
	_ =	sdelay $0x3  }
0x33: {  	p0 =	seq.s32 s10, $0x1;
	s10 =	sld [smem:$0x3FB7];
	_ =	sdelay $0x3  }
0x34: {  	[smem:$0x3FB7] =	sst s10  }
0x35: {  	s10 =	sld [smem:$0x3FB6];
	_ =	sdelay $0x3  }
0x36: {  	p1 =	seq.s32 s10, $0x1;
	s10 =	sld [smem:$0x3FB7];
	_ =	sdelay $0x3  }
0x37: {  	[smem:$0x3FB7] =	sst s10  }
0x38: {  	s10 =	sld [smem:$0x3FB8]  }
0x39: {  	_ = 	snop;
	(pc) =	sbr.ind lr, $3  }
0x3a: {  	_ = 	snop  }
0x3b: {  	_ = 	snop  }
0x3c: {  	p2 =	seq.s32 s10, $0x1;
	s10 =	sld [smem:$0x3FB7]  }
0x3d: {  	_ =	shalt  }
0x3e: {  	_ =	shalt  }
0x3f: {  	_ =	shalt  }
0x40: {  	_ =	shalt  }
0x41: {  	_ =	shalt  }
0x42: {  	_ =	shalt  }
0x43: {  	_ =	shalt  }
0x44: {  	_ =	shalt  }
0x45: {  	_ =	shalt  }
0x46: {  	_ =	shalt  }
0x47: {  	_ =	shalt  }
0x48: {  	_ =	shalt  }
0x49: {  	_ =	shalt  }
0x4a: {  	_ =	shalt  }
0x4b: {  	_ =	shalt  }
0x4c: {  	_ =	shalt  }
0x4d: {  	_ =	shalt  }
0x4e: {  	_ =	shalt  }
0x4f: {  	_ =	shalt  }
0x50: {  	_ =	shalt  }
0x51: {  	_ =	shalt  }
0x52: {  	_ =	shalt  }
0x53: {  	_ =	shalt  }
0x54: {  	_ =	shalt  }
0x55: {  	_ =	shalt  }
0x56: {  	_ =	shalt  }
0x57: {  	_ =	shalt  }
0x58: {  	_ =	shalt  }
0x59: {  	_ =	shalt  }
0x5a: {  	_ =	shalt  }
0x5b: {  	_ =	shalt  }
0x5c: {  	_ =	shalt  }
0x5d: {  	_ =	shalt  }
0x5e: {  	_ =	shalt  }
0x5f: {  	_ =	shalt  }
0x60: {  	_ =	shalt  }
0x61: {  	_ =	shalt  }
0x62: {  	_ =	shalt  }
0x63: {  	_ =	shalt  }
0x64: {  	_ =	shalt  }
0x65: {  	_ =	shalt  }
0x66: {  	_ =	shalt  }
0x67: {  	_ =	shalt  }
0x68: {  	_ =	shalt  }
0x69: {  	_ =	shalt  }
0x6a: {  	_ =	shalt  }
0x6b: {  	_ =	shalt  }
0x6c: {  	_ =	shalt  }
0x6d: {  	_ =	shalt  }
0x6e: {  	_ =	shalt  }
0x6f: {  	_ =	shalt  }
0x70: {  	_ =	shalt  }
0x71: {  	_ =	shalt  }
0x72: {  	_ =	shalt  }
0x73: {  	_ =	shalt  }
0x74: {  	_ =	shalt  }
0x75: {  	_ =	shalt  }
0x76: {  	_ =	shalt  }
0x77: {  	_ =	shalt  }
0x78: {  	_ =	shalt  }
0x79: {  	_ =	shalt  }
0x7a: {  	_ =	shalt  }
0x7b: {  	_ =	shalt  }
0x7c: {  	_ =	shalt  }
0x7d: {  	_ =	shalt  }
0x7e: {  	_ =	shalt  }
0x7f: {  	_ =	shalt  }
0x80: {  	_ =	shalt  }
0x81: {  	_ =	shalt  }
0x82: {  	_ =	shalt  }
0x83: {  	_ =	shalt  }
0x84: {  	_ =	shalt  }
0x85: {  	_ =	shalt  }
0x86: {  	_ =	shalt  }
0x87: {  	_ =	shalt  }
.Lfunc_end0:
.L_simem_size_0:
called_computation_lowered:
.L_overlay_start_0:
0x88: {  	s2 =	sld [smem:$0x3FD9]  }
0x89: {  	s3 =	sld [smem:$0x3FFE];
	_ =	sdelay $0x1  }
0x8a: {  	s1 =	srdreg.scid  }
0x8b: {  	s0 =	sand.u32 $0x1, s1  }
0x8c: {  	s17 =	sshll.u32 s0, $0xA;
	s2 =	sadd.s32 s3, s2  }
0x8d: {  	s2 =	sadd.s32 s2, s17  }
0x8e: {  	[smem:$0x3FC3] =	sst s2  }
0x8f: {  	_ = 	snop  }
0x90: {  	s2 =	sld [smem:$0x3FD0];
	(tm) =	ssettm $0x1  }
0x91: {  	s18 =	sld [smem:$0x3FFB];
	_ =	sdelay $0x3  }
0x92: {  	_ =	strace s18  }
0x93: {  	s3 =	sld [smem:$0x3FFC];
	_ =	sdelay $0x3  }
0x94: {  	_ =	strace s3  }
0x95: {  	s3 =	sld [smem:$0x3FFD];
	_ =	sdelay $0x3  }
0x96: {  	_ =	strace s3  }
0x97: {  	_ =	strace $0x8FFFFFFF  }
0x98: {  	s19 =	sld [smem:$0x3FDB];
	_ =	sdelay $0x1  }
0x99: {  	s4 =	simm.s32 $_scs_section_size  }
0x9a: {  	s5 =	simm.s32 $_size__tile_overlayer_lowered;
	s6 =	simm.s32 $_tile_overlayer_lowered  }
0x9b: {  	s22 =	simm.s32 $0x1BFF;
	s21 =	sshll.u32 s6, $0x1;
	s3 =	sadd.s32 s4, s19  }
0x9c: {  	s7 =	simm.s32 $0x0;
	s20 =	sshll.u32 s5, $0x1;
	s5 =	sadd.s32 s21, s3  }
0x9d: {  	[timem:s7], [sflag:s22] =	dma.local [hbm:s5], s20  }
0x9e: {  	_ =	swait.ge [sflag:s22], s20  }
0x9f: {  	s4 =	ssub.s32 $0x0, s20;
	[sflag:s22] =	ssyncset.done $0x0  }
0xa0: {  	[sflag:s22] =	ssyncadd.s32 s4;
	_ =	sdelay $0x1  }
0xa1: {  	s23 =	simm.s32 $0x1B8B  }
0xa2: {  	_ =	swait.ge [sflag:s23], $0x1  }
0xa3: {  	[sflag:s23] =	ssyncset.done $0x0  }
0xa4: {  	s25 =	simm.s32 $0x1B8E;
	s24 =	sld [smem:$0x3FFE];
	[sflag:s23] =	ssyncadd.s32 $0xFFFFFFFF  }
0xa5: {  	s26 =	simm.s32 $execute0_lowered;
	[smem:$0x3FD2] =	sst s25  }
0xa6: {  	s5 =	sshll.u32 s26, $0x1;
	_ =	strace $0x80000046;
	[dreg:$0x1] =	wrdreg $0xFFFFFFFF  }
0xa7: {  	s28 =	simm.s32 $_size_execute0_lowered;
	s3 =	sadd.s32 s3, s5;
	[dreg:$0x0] =	wrdreg $0x0  }
0xa8: {  	s5 =	sshll.u32 s28, $0x1;
	[dreg:$0x2] =	wrdreg s3  }
0xa9: {  	[dreg:$0x3] =	wrdreg s5  }
0xaa: {  	[dreg:$0x4] =	wrdreg $0xC0  }
0xab: {  	_ =	task [dreg:s7], $0x5FFFF  }
0xac: {  	[dreg:$0x1] =	wrdreg $0xFFFFFFFF  }
0xad: {  	[dreg:$0x0] =	wrdreg $0x60  }
0xae: {  	[dreg:$0x2] =	wrdreg s24  }
0xaf: {  	[dreg:$0x3] =	wrdreg s2  }
0xb0: {  	[dreg:$0x4] =	wrdreg $0x9  }
0xb1: {  	_ =	task.clear_ibuf [dreg:s7], $0x5FFFF;
	_ =	strace $0x90000046  }
0xb2: {  	s29 =	simm.s32 $0x9;
	_ =	strace $0x80000048  }
0xb3: {  	_ =	swait.ge [sflag:s29], $0x1  }
0xb4: {  	[sflag:s29] =	ssyncadd.s32 $0xFFFFFFFF  }
0xb5: {  	_ =	strace $0x90000048  }
0xb6: {  	_ =	sfence  }
0xb7: {  	s30 =	sld [smem:$0x0];
	_ =	sdelay $0x2  }
0xb8: {  	s31 =	sshll.u32 s1, $0xD;
	s1 =	sshrl.u32 s1, $0x2  }
0xb9: {  	s3 =	sand.u32 $0x4000, s31;
	s1 =	sadd.s32 s1, s30  }
0xba: {  	s0 =	sor.u32 s3, s0;
	s1 =	sshll.u32 s1, $0x11  }
0xbb: {  	s0 =	sor.u32 s1, s0  }
0xbc: {  	s0 =	sadd.s32 $0x8F2B, s0  }
0xbd: {  	[sflag:s0] =	ssyncadd.remote.s32 $0x1  }
0xbe: {  	_ =	sfence.sel $0xFFFF  }
0xbf: {  	[dreg:$0x0] =	wrdreg $0xFFFFFFFF;
	(pc) =	sbr.abs _section_cstart, $3  }
0xc0: {  	[dreg:$0x1] =	wrdreg $0xFFFFFFFF  }
0xc1: {  	_ =	task.clear_ibuf [dreg:s7], $0x2FFFF;
	_ =	strace $0x9FFFFFFF  }
0xc2: {  	(tm) =	ssettm $0x7FFFFFFF  }
0xc3: {  	_ =	shalt  }
tec
execute0_lowered:
.L_overlay_start_1:
0x0: {  	(tag) =	ssettag $0x1  }
0x1: {  	s1 =	srdreg.scid  }
0x2: {  	s0 =	stileid.u32;
	s30 =	sand.u32 $0x1, s1  }
0x3: {  	s25 =	rddreg [dreg:$0x0];
	s3 =	sshll.u32 s0, $0xA;
	s4 =	sshll.u32 s30, $0x9  }
0x4: {  	s11 =	rddreg [dreg:$0x1];
	s2 =	simm.s32 $0x0;
	s22 =	sor.u32 s4, s3  }
0x5: {  	[smem:$0x7FF] =	sst s2;
	s3 =	sshrl.u32 s22, $0x3  }
0x6: {  	_ =	strace $0x80000047;
	s4 =	sadd.s32 s11, s3;
	s3 =	simm.s32 $0x3  }
0x7: {  	[tilespmem:s2], [sflag:$0x3] =	stream.linear.gather [hbm4b:s4+s2], $0x200, $0x38;
	[tilespmem:$0x10E00] =	vst v63  }
0x8: {  	s26 =	sor.u32 $0x4000, s22;
	_ =	swait.ge [sflag:s3], $0x200  }
0x9: {  	s5 =	sshrl.u32 s26, $0x3;
	[sflag:s3] =	ssyncset.done $0x0  }
0xa: {  	s6 =	simm.s32 $0x200;
	s5 =	sadd.s32 s11, s5;
	[sflag:s3] =	ssyncadd.s32 $0xFFFFFE00  }
0xb: {  	[tilespmem:s6], [sflag:$0x3] =	stream.linear.gather [hbm4b:s5+s2], $0x200, $0x38;
	[tilespmem:$0x10E00] =	vst v63  }
0xc: {  	s28 =	sor.u32 $0x8000, s22;
	_ =	swait.ge [sflag:s3], $0x200  }
0xd: {  	s7 =	sshrl.u32 s28, $0x3;
	[sflag:s3] =	ssyncset.done $0x0  }
0xe: {  	s8 =	simm.s32 $0x400;
	s7 =	sadd.s32 s11, s7;
	[sflag:s3] =	ssyncadd.s32 $0xFFFFFE00  }
0xf: {  	[tilespmem:s8], [sflag:$0x3] =	stream.linear.gather [hbm4b:s7+s2], $0x200, $0x38;
	[tilespmem:$0x10E00] =	vst v63  }
0x10: {  	s29 =	sor.u32 $0xC000, s22;
	_ =	swait.ge [sflag:s3], $0x200  }
0x11: {  	s9 =	sshrl.u32 s29, $0x3;
	[sflag:s3] =	ssyncset.done $0x0  }
0x12: {  	s10 =	simm.s32 $0x600;
	s9 =	sadd.s32 s11, s9;
	[sflag:s3] =	ssyncadd.s32 $0xFFFFFE00  }
0x13: {  	[tilespmem:s10], [sflag:$0x3] =	stream.linear.gather [hbm4b:s9+s2], $0x200, $0x38;
	[tilespmem:$0x10E00] =	vst v63  }
0x14: {  	s31 =	sor.u32 $0x10000, s22;
	_ =	swait.ge [sflag:s3], $0x200  }
0x15: {  	s12 =	sshrl.u32 s31, $0x3;
	[sflag:s3] =	ssyncset.done $0x0  }
0x16: {  	s11 =	sadd.s32 s11, s12;
	s12 =	simm.s32 $0x800;
	[sflag:s3] =	ssyncadd.s32 $0xFFFFFE00  }
0x17: {  	[tilespmem:s12], [sflag:$0x3] =	stream.linear.gather [hbm4b:s11+s2], $0x200, $0x38;
	[tilespmem:$0x10E00] =	vst v63  }
0x18: {  	_ =	swait.ge [sflag:s3], $0x200  }
0x19: {  	[sflag:s3] =	ssyncset.done $0x0  }
0x1a: {  	s14 =	simm.s32 $0xA00;
	s13 =	sadd.s32 $0x2800, s4;
	[sflag:s3] =	ssyncadd.s32 $0xFFFFFE00  }
0x1b: {  	[tilespmem:s14], [sflag:$0x3] =	stream.linear.gather [hbm4b:s13+s2], $0x200, $0x38;
	[tilespmem:$0x10E00] =	vst v63  }
0x1c: {  	_ =	swait.ge [sflag:s3], $0x200  }
0x1d: {  	[sflag:s3] =	ssyncset.done $0x0  }
0x1e: {  	s16 =	simm.s32 $0xC00;
	s15 =	sadd.s32 $0x3000, s4;
	[sflag:s3] =	ssyncadd.s32 $0xFFFFFE00  }
0x1f: {  	[tilespmem:s16], [sflag:$0x3] =	stream.linear.gather [hbm4b:s15+s2], $0x200, $0x38;
	[tilespmem:$0x10E00] =	vst v63  }
0x20: {  	_ =	swait.ge [sflag:s3], $0x200  }
0x21: {  	[sflag:s3] =	ssyncset.done $0x0  }
0x22: {  	s18 =	simm.s32 $0xE00;
	s17 =	sadd.s32 $0x7C0E00, s25;
	[sflag:s3] =	ssyncadd.s32 $0xFFFFFE00  }
0x23: {  	[tilespmem:s18], [sflag:$0x1] =	stream.indirect.gather [hbm4b:s17+s6], $0x40, s2, s6, $0xb8;
	[tilespmem:$0x10E00] =	vst v63  }
0x24: {  	s20 =	simm.s32 $0x8E00;
	s21 =	simm.s32 $0x1;
	s19 =	sadd.s32 $0xE00, s25  }
0x25: {  	[tilespmem:s20], [sflag:$0x2] =	stream.indirect.gather [hbm4b:s19+s6], $0x40, s6, s6, $0xb8;
	[tilespmem:$0x10E00] =	vst v63  }
0x26: {  	s1 =	sshll.u32 s22, $0x3;
	_ =	swait.ge [sflag:s21], $0x8000  }
0x27: {  	s24 =	sadd.s32 s1, s25;
	[sflag:s21] =	ssyncset.done $0x0  }
0x28: {  	s22 =	sadd.s32 $0xF80E00, s24;
	[sflag:s21] =	ssyncadd.s32 $0xFFFF8000  }
0x29: {  	[hbm4b:s22+s2] =	stream.linear.scatter [tilespmem:s18], [sflag:$0x3], $0x8000, $0x38;
	[tilespmem:$0x10E00] =	vst v63  }
0x2a: {  	_ =	swait.ge [sflag:s3], $0x8000  }
0x2b: {  	[sflag:s3] =	ssyncset.done $0x0  }
0x2c: {  	s23 =	simm.s32 $0x2;
	[sflag:s3] =	ssyncadd.s32 $0xFFFF8000  }
0x2d: {  	[tilespmem:s18], [sflag:$0x1] =	stream.indirect.gather [hbm4b:s19+s6], $0x40, s8, s6, $0xb8;
	[tilespmem:$0x10E00] =	vst v63  }
0x2e: {  	_ =	swait.ge [sflag:s23], $0x8000  }
0x2f: {  	[sflag:s23] =	ssyncset.done $0x0  }
0x30: {  	s24 =	sadd.s32 $0xFA0E00, s24;
	[sflag:s23] =	ssyncadd.s32 $0xFFFF8000  }
0x31: {  	[hbm4b:s24+s2] =	stream.linear.scatter [tilespmem:s20], [sflag:$0x3], $0x8000, $0x38;
	[tilespmem:$0x10E00] =	vst v63  }
0x32: {  	_ =	swait.ge [sflag:s3], $0x8000  }
0x33: {  	[sflag:s3] =	ssyncset.done $0x0  }
0x34: {  	[sflag:s3] =	ssyncadd.s32 $0xFFFF8000  }
0x35: {  	[tilespmem:s20], [sflag:$0x2] =	stream.indirect.gather [hbm4b:s19+s6], $0x40, s10, s6, $0xb8;
	[tilespmem:$0x10E00] =	vst v63  }
0x36: {  	_ =	swait.ge [sflag:s21], $0x8000  }
0x37: {  	s0 =	sadd.s32 $0xFC0E00, s25;
	[sflag:s21] =	ssyncset.done $0x0  }
0x38: {  	s25 =	sadd.s32 s0, s1;
	[sflag:s21] =	ssyncadd.s32 $0xFFFF8000  }
0x39: {  	[hbm4b:s25+s2] =	stream.linear.scatter [tilespmem:s18], [sflag:$0x3], $0x8000, $0x38;
	[tilespmem:$0x10E00] =	vst v63  }
0x3a: {  	_ =	swait.ge [sflag:s3], $0x8000  }
0x3b: {  	[sflag:s3] =	ssyncset.done $0x0  }
0x3c: {  	[sflag:s3] =	ssyncadd.s32 $0xFFFF8000  }
0x3d: {  	[tilespmem:s18], [sflag:$0x1] =	stream.indirect.gather [hbm4b:s19+s6], $0x40, s12, s6, $0xb8;
	[tilespmem:$0x10E00] =	vst v63  }
0x3e: {  	_ =	swait.ge [sflag:s23], $0x8000  }
0x3f: {  	s26 =	sshll.u32 s26, $0x3;
	[sflag:s23] =	ssyncset.done $0x0  }
0x40: {  	s26 =	sadd.s32 s0, s26;
	[sflag:s23] =	ssyncadd.s32 $0xFFFF8000  }
0x41: {  	[hbm4b:s26+s2] =	stream.linear.scatter [tilespmem:s20], [sflag:$0x3], $0x8000, $0x38;
	[tilespmem:$0x10E00] =	vst v63  }
0x42: {  	_ =	swait.ge [sflag:s3], $0x8000  }
0x43: {  	[sflag:s3] =	ssyncset.done $0x0  }
0x44: {  	[sflag:s3] =	ssyncadd.s32 $0xFFFF8000  }
0x45: {  	[tilespmem:s20], [sflag:$0x2] =	stream.indirect.gather [hbm4b:s19+s6], $0x40, s14, s6, $0xb8;
	[tilespmem:$0x10E00] =	vst v63  }
0x46: {  	_ =	swait.ge [sflag:s21], $0x8000  }
0x47: {  	s1 =	sshll.u32 s28, $0x3;
	[sflag:s21] =	ssyncset.done $0x0  }
0x48: {  	s28 =	sadd.s32 s0, s1;
	[sflag:s21] =	ssyncadd.s32 $0xFFFF8000  }
0x49: {  	[hbm4b:s28+s2] =	stream.linear.scatter [tilespmem:s18], [sflag:$0x3], $0x8000, $0x38;
	[tilespmem:$0x10E00] =	vst v63  }
0x4a: {  	_ =	swait.ge [sflag:s3], $0x8000  }
0x4b: {  	[sflag:s3] =	ssyncset.done $0x0  }
0x4c: {  	[sflag:s3] =	ssyncadd.s32 $0xFFFF8000  }
0x4d: {  	[tilespmem:s18], [sflag:$0x1] =	stream.indirect.gather [hbm4b:s19+s6], $0x40, s16, s6, $0xb8;
	[tilespmem:$0x10E00] =	vst v63  }
0x4e: {  	_ =	swait.ge [sflag:s23], $0x8000  }
0x4f: {  	s1 =	sshll.u32 s29, $0x3;
	[sflag:s23] =	ssyncset.done $0x0  }
0x50: {  	s29 =	sadd.s32 s0, s1;
	s1 =	ssub.s32 $0x2, s30;
	[sflag:s23] =	ssyncadd.s32 $0xFFFF8000  }
0x51: {  	[hbm4b:s29+s2] =	stream.linear.scatter [tilespmem:s20], [sflag:$0x3], $0x8000, $0x38;
	[tilespmem:$0x10E00] =	vst v63  }
0x52: {  	s30 =	sshrl.u32 s1, $0x1;
	_ =	swait.ge [sflag:s3], $0x8000  }
0x53: {  	s1 =	ssub.s32 s1, s30;
	[sflag:s3] =	ssyncset.done $0x0  }
0x54: {  	s1 =	smax.u32 s1, $0x1;
	[sflag:s3] =	ssyncadd.s32 $0xFFFF8000  }
0x55: {  	p0 =	sne.s32 s1, $0x1;
	_ =	swait.ge [sflag:s21], $0x8000  }
.Ltmp0:
0x56: {  	s30 =	sshll.u32 s31, $0x3;
	[sflag:s21] =	ssyncset.done $0x0;
	(pc) =	sbr.rel @!p0 .LBB2_2-.Ltmp0, $4  }
0x57: {  	s30 =	sadd.s32 s0, s30;
	[sflag:s21] =	ssyncadd.s32 $0xFFFF8000  }
0x58: {  	[hbm4b:s30+s2] =	stream.linear.scatter [tilespmem:s18], [sflag:$0x3], $0x8000, $0x38;
	[tilespmem:$0x10E00] =	vst v63  }
0x59: {  	_ =	swait.ge [sflag:s3], $0x8000  }
0x5a: {  	s31 =	sadd.s32 $0xFFFFFFFF, s1;
	[sflag:s3] =	ssyncset.done $0x0  }
.LBB2_1:
0x5b: {  	p0 =	sne.s32 s31, $0x1;
	s31 =	sadd.s32 $0xFFFFFFFF, s31;
	[sflag:s3] =	ssyncadd.s32 $0xFFFF8000  }
0x5c: {  	[tilespmem:s2], [sflag:$0x3] =	stream.linear.gather [hbm4b:s4+s2], $0x200, $0x38;
	[tilespmem:$0x10E00] =	vst v63  }
0x5d: {  	_ =	swait.ge [sflag:s3], $0x200  }
0x5e: {  	[sflag:s3] =	ssyncset.done $0x0  }
0x5f: {  	[sflag:s3] =	ssyncadd.s32 $0xFFFFFE00  }
0x60: {  	[tilespmem:s6], [sflag:$0x3] =	stream.linear.gather [hbm4b:s5+s2], $0x200, $0x38;
	[tilespmem:$0x10E00] =	vst v63  }
0x61: {  	_ =	swait.ge [sflag:s3], $0x200  }
0x62: {  	[sflag:s3] =	ssyncset.done $0x0  }
0x63: {  	[sflag:s3] =	ssyncadd.s32 $0xFFFFFE00  }
0x64: {  	[tilespmem:s8], [sflag:$0x3] =	stream.linear.gather [hbm4b:s7+s2], $0x200, $0x38;
	[tilespmem:$0x10E00] =	vst v63  }
0x65: {  	_ =	swait.ge [sflag:s3], $0x200  }
0x66: {  	[sflag:s3] =	ssyncset.done $0x0  }
0x67: {  	[sflag:s3] =	ssyncadd.s32 $0xFFFFFE00  }
0x68: {  	[tilespmem:s10], [sflag:$0x3] =	stream.linear.gather [hbm4b:s9+s2], $0x200, $0x38;
	[tilespmem:$0x10E00] =	vst v63  }
0x69: {  	_ =	swait.ge [sflag:s3], $0x200  }
0x6a: {  	[sflag:s3] =	ssyncset.done $0x0  }
0x6b: {  	[sflag:s3] =	ssyncadd.s32 $0xFFFFFE00  }
0x6c: {  	[tilespmem:s12], [sflag:$0x3] =	stream.linear.gather [hbm4b:s11+s2], $0x200, $0x38;
	[tilespmem:$0x10E00] =	vst v63  }
0x6d: {  	_ =	swait.ge [sflag:s3], $0x200  }
0x6e: {  	[sflag:s3] =	ssyncset.done $0x0  }
0x6f: {  	[sflag:s3] =	ssyncadd.s32 $0xFFFFFE00  }
0x70: {  	[tilespmem:s14], [sflag:$0x3] =	stream.linear.gather [hbm4b:s13+s2], $0x200, $0x38;
	[tilespmem:$0x10E00] =	vst v63  }
0x71: {  	_ =	swait.ge [sflag:s3], $0x200  }
0x72: {  	[sflag:s3] =	ssyncset.done $0x0  }
0x73: {  	[sflag:s3] =	ssyncadd.s32 $0xFFFFFE00  }
0x74: {  	[tilespmem:s16], [sflag:$0x3] =	stream.linear.gather [hbm4b:s15+s2], $0x200, $0x38;
	[tilespmem:$0x10E00] =	vst v63  }
0x75: {  	_ =	swait.ge [sflag:s3], $0x200  }
0x76: {  	[sflag:s3] =	ssyncset.done $0x0  }
0x77: {  	[sflag:s3] =	ssyncadd.s32 $0xFFFFFE00  }
0x78: {  	[tilespmem:s18], [sflag:$0x1] =	stream.indirect.gather [hbm4b:s17+s6], $0x40, s2, s6, $0xb8;
	[tilespmem:$0x10E00] =	vst v63  }
0x79: {  	_ = 	snop  }
0x7a: {  	[tilespmem:s20], [sflag:$0x2] =	stream.indirect.gather [hbm4b:s19+s6], $0x40, s6, s6, $0xb8;
	[tilespmem:$0x10E00] =	vst v63  }
0x7b: {  	_ =	swait.ge [sflag:s21], $0x8000  }
0x7c: {  	[sflag:s21] =	ssyncset.done $0x0  }
0x7d: {  	[sflag:s21] =	ssyncadd.s32 $0xFFFF8000  }
0x7e: {  	[hbm4b:s22+s2] =	stream.linear.scatter [tilespmem:s18], [sflag:$0x3], $0x8000, $0x38;
	[tilespmem:$0x10E00] =	vst v63  }
0x7f: {  	_ =	swait.ge [sflag:s3], $0x8000  }
0x80: {  	[sflag:s3] =	ssyncset.done $0x0  }
0x81: {  	[sflag:s3] =	ssyncadd.s32 $0xFFFF8000  }
0x82: {  	[tilespmem:s18], [sflag:$0x1] =	stream.indirect.gather [hbm4b:s19+s6], $0x40, s8, s6, $0xb8;
	[tilespmem:$0x10E00] =	vst v63  }
0x83: {  	_ =	swait.ge [sflag:s23], $0x8000  }
0x84: {  	[sflag:s23] =	ssyncset.done $0x0  }
0x85: {  	[sflag:s23] =	ssyncadd.s32 $0xFFFF8000  }
0x86: {  	[hbm4b:s24+s2] =	stream.linear.scatter [tilespmem:s20], [sflag:$0x3], $0x8000, $0x38;
	[tilespmem:$0x10E00] =	vst v63  }
0x87: {  	_ =	swait.ge [sflag:s3], $0x8000  }
0x88: {  	[sflag:s3] =	ssyncset.done $0x0  }
0x89: {  	[sflag:s3] =	ssyncadd.s32 $0xFFFF8000  }
0x8a: {  	[tilespmem:s20], [sflag:$0x2] =	stream.indirect.gather [hbm4b:s19+s6], $0x40, s10, s6, $0xb8;
	[tilespmem:$0x10E00] =	vst v63  }
0x8b: {  	_ =	swait.ge [sflag:s21], $0x8000  }
0x8c: {  	[sflag:s21] =	ssyncset.done $0x0  }
0x8d: {  	[sflag:s21] =	ssyncadd.s32 $0xFFFF8000  }
0x8e: {  	[hbm4b:s25+s2] =	stream.linear.scatter [tilespmem:s18], [sflag:$0x3], $0x8000, $0x38;
	[tilespmem:$0x10E00] =	vst v63  }
0x8f: {  	_ =	swait.ge [sflag:s3], $0x8000  }
0x90: {  	[sflag:s3] =	ssyncset.done $0x0  }
0x91: {  	[sflag:s3] =	ssyncadd.s32 $0xFFFF8000  }
0x92: {  	[tilespmem:s18], [sflag:$0x1] =	stream.indirect.gather [hbm4b:s19+s6], $0x40, s12, s6, $0xb8;
	[tilespmem:$0x10E00] =	vst v63  }
0x93: {  	_ =	swait.ge [sflag:s23], $0x8000  }
0x94: {  	[sflag:s23] =	ssyncset.done $0x0  }
0x95: {  	[sflag:s23] =	ssyncadd.s32 $0xFFFF8000  }
0x96: {  	[hbm4b:s26+s2] =	stream.linear.scatter [tilespmem:s20], [sflag:$0x3], $0x8000, $0x38;
	[tilespmem:$0x10E00] =	vst v63  }
0x97: {  	_ =	swait.ge [sflag:s3], $0x8000  }
0x98: {  	[sflag:s3] =	ssyncset.done $0x0  }
0x99: {  	[sflag:s3] =	ssyncadd.s32 $0xFFFF8000  }
0x9a: {  	[tilespmem:s20], [sflag:$0x2] =	stream.indirect.gather [hbm4b:s19+s6], $0x40, s14, s6, $0xb8;
	[tilespmem:$0x10E00] =	vst v63  }
0x9b: {  	_ =	swait.ge [sflag:s21], $0x8000  }
0x9c: {  	[sflag:s21] =	ssyncset.done $0x0  }
0x9d: {  	[sflag:s21] =	ssyncadd.s32 $0xFFFF8000  }
0x9e: {  	[hbm4b:s28+s2] =	stream.linear.scatter [tilespmem:s18], [sflag:$0x3], $0x8000, $0x38;
	[tilespmem:$0x10E00] =	vst v63  }
0x9f: {  	_ =	swait.ge [sflag:s3], $0x8000  }
0xa0: {  	[sflag:s3] =	ssyncset.done $0x0  }
0xa1: {  	[sflag:s3] =	ssyncadd.s32 $0xFFFF8000  }
0xa2: {  	[tilespmem:s18], [sflag:$0x1] =	stream.indirect.gather [hbm4b:s19+s6], $0x40, s16, s6, $0xb8;
	[tilespmem:$0x10E00] =	vst v63  }
0xa3: {  	_ =	swait.ge [sflag:s23], $0x8000  }
0xa4: {  	[sflag:s23] =	ssyncset.done $0x0  }
0xa5: {  	[sflag:s23] =	ssyncadd.s32 $0xFFFF8000  }
0xa6: {  	[hbm4b:s29+s2] =	stream.linear.scatter [tilespmem:s20], [sflag:$0x3], $0x8000, $0x38;
	[tilespmem:$0x10E00] =	vst v63  }
0xa7: {  	_ =	swait.ge [sflag:s3], $0x8000  }
0xa8: {  	[sflag:s3] =	ssyncset.done $0x0  }
0xa9: {  	[sflag:s3] =	ssyncadd.s32 $0xFFFF8000  }
0xaa: {  	_ =	swait.ge [sflag:s21], $0x8000  }
.Ltmp1:
0xab: {  	[sflag:s21] =	ssyncset.done $0x0;
	(pc) =	sbr.rel @p0 .LBB2_1-.Ltmp1, $4  }
0xac: {  	[sflag:s21] =	ssyncadd.s32 $0xFFFF8000  }
0xad: {  	[hbm4b:s30+s2] =	stream.linear.scatter [tilespmem:s18], [sflag:$0x3], $0x8000, $0x38;
	[tilespmem:$0x10E00] =	vst v63  }
0xae: {  	_ =	swait.ge [sflag:s3], $0x8000  }
0xaf: {  	[sflag:s3] =	ssyncset.done $0x0  }
.LBB2_2:
0xb0: {  	[sflag:s3] =	ssyncadd.s32 $0xFFFF8000  }
0xb1: {  	_ =	sfence.sel $0x180000  }
0xb2: {  	[bflag:$0x0] =	sbarrier.arrive $0xFFFF  }
0xb3: {  	_ =	strace $0x90000047  }
0xb4: {  	s0 =	stileid.u32;
	[bflag:$0x2] =	sbarrier.arrive $0xFFFF  }
0xb5: {  	p0 =	sne.s32 s0, $0x0;
	s0 =	rddreg [dreg:$0x2]  }
0xb6: {  	s0 =	sadd.s32 @!p0 $0x100000, s0  }
0xb7: {  	[sflag:s0] =	ssyncadd.tile.s32 @!p0 $0x1;
	_ =	shalt  }
.Lfunc_end2:
_tile_overlayer_lowered:
.L_overlay_start_2:
0xb8: {  	(tag) =	ssettag $0x2  }
0xb9: {  	s0 =	rddreg [dreg:$0x0];
	s2 =	stileid.u32  }
0xba: {  	s1 =	rddreg [dreg:$0x1];
	p0 =	sne.s32 s2, $0x0  }
0xbb: {  	s3 =	rddreg [dreg:$0x2];
	[bflag:$0x3] =	sbarrier.arrive $0xFFFF;
	s2 =	simm.s32 @!p0 $0x1C03  }
0xbc: {  	[timem:s3], [sflag:s2] =	dma.local @!p0 [hbm:s0], s1  }
0xbd: {  	s0 =	simm.s32 @!p0 $0x3  }
0xbe: {  	_ =	swait.ge @!p0 [sflag:s0], s1  }
0xbf: {  	s1 =	ssub.s32 @!p0 $0x0, s1;
	[sflag:s0] =	ssyncset.done @!p0 $0x0  }
0xc0: {  	[sflag:s0] =	ssyncadd.s32 @!p0 s1  }
0xc1: {  	[bflag:$0x3] =	sbarrier.arrive $0xFFFF  }
0xc2: {  	_ =	shalt  }

</sc_bundles>
